<compile_context>
chip_gen: v7x
topology: tpu7x:2x2x1
jax: 0.10.2.dev20260603
libtpu: 0.0.44.dev20260713+nightly
codegen_flags: <defaults>
</compile_context>

<pallas_src>
import functools

import jax
import jax.numpy as jnp
from jax import lax
from jax.experimental import pallas as pl
from jax.experimental.pallas import tpu as pltpu
from jax.experimental.pallas import tpu_sc as plsc

_B = 4
_S = 8192
_D = 1024
_N = _B * _S
_NC = 2
_NS = 16
_NW = _NC * _NS
_RPW = _N // _NW
_CH = 32
_NBUF = 2
_NCH = _RPW // _CH
_POS = 1

_mesh = plsc.VectorSubcoreMesh(
    core_axis_name="c", subcore_axis_name="s", num_cores=_NC, num_subcores=_NS
)


@functools.partial(
    pl.kernel,
    out_type=jax.ShapeDtypeStruct((_N, _D), jnp.float32),
    mesh=_mesh,
    scratch_types=[
        pltpu.VMEM((_RPW,), jnp.int32),
        pltpu.VMEM((_B, 1), jnp.int32),
        pltpu.VMEM((_NBUF, _CH, _D), jnp.float32),
        pltpu.VMEM((1, _D), jnp.float32),
        pltpu.SemaphoreType.DMA,
        pltpu.SemaphoreType.DMA,
        pltpu.SemaphoreType.DMA,
        pltpu.SemaphoreType.DMA,
        pltpu.SemaphoreType.DMA,
    ],
)
def _emb_lookup(tok_hbm, puz_hbm, ids_hbm, pid_hbm, out_hbm,
                idx_v, pid_v, bufs, prow_v,
                sem_in0, sem_in1, sem_out0, sem_out1, sem_p):
    sems_in = (sem_in0, sem_in1)
    sems_out = (sem_out0, sem_out1)
    wid = lax.axis_index("s") * _NC + lax.axis_index("c")
    base = pl.multiple_of(wid * _RPW, _RPW)

    pltpu.sync_copy(ids_hbm.at[pl.ds(base, _RPW)], idx_v)
    pltpu.sync_copy(pid_hbm, pid_v)

    def _gather(ch, b):
        off = pl.multiple_of(ch * _CH, _CH)
        return pltpu.make_async_copy(
            tok_hbm.at[idx_v.at[pl.ds(off, _CH)]], bufs.at[b], sems_in[b]
        )

    def _writeout(ch, b):
        off = pl.multiple_of(ch * _CH, _CH)
        return pltpu.make_async_copy(
            bufs.at[b], out_hbm.at[pl.ds(base + off, _CH)], sems_out[b]
        )

    for b in range(_NBUF):
        _gather(b, b).start()

    def _step(o, _):
        g0 = o * _NBUF
        for b in range(_NBUF):
            g = g0 + b
            _gather(g, b).wait()
            _writeout(g, b).start()
            _writeout(g, b).wait()

            @pl.when(o + 1 < _NCH // _NBUF)
            def _():
                _gather(g + _NBUF, b).start()

        return 0

    lax.fori_loop(0, _NCH // _NBUF, _step, 0)

    def _patch(bb):
        cp = pltpu.make_async_copy(
            puz_hbm.at[pid_v.at[bb]], prow_v, sem_p
        )
        cp.start()
        cp.wait()
        pltpu.sync_copy(prow_v, out_hbm.at[pl.ds(base + _POS, 1)])

    for w in range(_B):

        @pl.when(wid == w * (_NW // _B))
        def _(bb=w):
            _patch(bb)


def kernel(input_ids, puzzle_identifiers, tok_table, puzzle_table):
    ids = input_ids.reshape(_N).astype(jnp.int32)
    pid = puzzle_identifiers.reshape(_B, 1).astype(jnp.int32)
    out = _emb_lookup(tok_table, puzzle_table, ids, pid)
    return out.reshape(_B, _S, _D)

# --- scband reference (transcript-rebuilt; emitter-appended) ---
"""Pipeline reference for scband-token-and-puzzle-embedding-74569222193260 (READ-ONLY COPY).

The authoritative reference and input builder live on the scoring server;
editing this copy changes nothing except your own understanding.
"""

import jax, jax.numpy as jnp
import numpy as np

VOCAB = 100000
D_MODEL = 1024
NUM_PUZZLE = 2048
BATCH = 4
SEQ = 8192
PAD_ID = 0
CAUSAL = True


def setup_inputs(seed: int = 0) -> dict:
    key = jax.random.key(seed)
    k1, k2, k3, k4 = jax.random.split(key, 4)
    input_ids = jax.random.randint(k1, (BATCH, SEQ), 0, VOCAB, dtype=jnp.int64 if jax.config.jax_enable_x64 else jnp.int32)
    puzzle_identifiers = jax.random.randint(k2, (BATCH,), 0, NUM_PUZZLE, dtype=jnp.int64 if jax.config.jax_enable_x64 else jnp.int32)
    tok_table = jax.random.normal(k3, (VOCAB, D_MODEL), dtype=jnp.float32) * 0.02
    # nn.Embedding(padding_idx=0) initializes the pad row to zeros
    tok_table = tok_table.at[PAD_ID].set(0.0)
    puzzle_table = jax.random.normal(k4, (NUM_PUZZLE, D_MODEL), dtype=jnp.float32) * 0.02
    return {
        "input_ids": input_ids,
        "puzzle_identifiers": puzzle_identifiers,
        "tok_table": tok_table,
        "puzzle_table": puzzle_table,
    }


def reference(input_ids, puzzle_identifiers, tok_table, puzzle_table):
    # h = self.tok(input_ids)
    h = jnp.take(tok_table, input_ids, axis=0)  # [B, S, D]
    # puzzle embedding overwrite at position pos (causal=True -> pos=1)
    pos = 1 if CAUSAL else 0
    p = jnp.take(puzzle_table, puzzle_identifiers, axis=0)  # [B, D]
    h = h.at[:, pos:pos + 1, :].set(p[:, None, :])
    return h

if __name__ == "__main__":
    import jax
    _d = setup_inputs()
    print(jax.jit(kernel)(*tuple(_d.values())))

</pallas_src>

<mosaic_0001>
#map = affine_map<(d0, d1) -> (0, 0)>
#map1 = affine_map<(d0, d1) -> (0)>
module attributes {stable_mosaic.version = 14 : i64} {
  func.func @_emb_lookup(%arg0: i32, %arg1: i32, %arg2: memref<100000x1024xf32, #tpu.memory_space<hbm>>, %arg3: memref<2048x1024xf32, #tpu.memory_space<hbm>>, %arg4: memref<32768xi32, #tpu.memory_space<hbm>>, %arg5: memref<4x1xi32, #tpu.memory_space<hbm>>, %arg6: memref<32768x1024xf32, #tpu.memory_space<hbm>>, %arg7: memref<1024xi32, #tpu.memory_space<vmem>>, %arg8: memref<4x1xi32, #tpu.memory_space<vmem>>, %arg9: memref<2x32x1024xf32, #tpu.memory_space<vmem>>, %arg10: memref<1x1024xf32, #tpu.memory_space<vmem>>, %arg11: memref<!tpu.dma_semaphore, #tpu.memory_space<semaphore_mem>>, %arg12: memref<!tpu.dma_semaphore, #tpu.memory_space<semaphore_mem>>, %arg13: memref<!tpu.dma_semaphore, #tpu.memory_space<semaphore_mem>>, %arg14: memref<!tpu.dma_semaphore, #tpu.memory_space<semaphore_mem>>, %arg15: memref<!tpu.dma_semaphore, #tpu.memory_space<semaphore_mem>>) attributes {dimension_semantics = [#tpu.dimension_semantics<core_parallel>, #tpu.dimension_semantics<subcore_parallel>], iteration_bounds = array<i64: 2, 16>, scalar_prefetch = 0 : i64, scratch_operands = 9 : i64, tpu.core_type = #tpu.core_type<sc_vector_subcore>, window_params = [{transform_indices = #map}, {transform_indices = #map}, {transform_indices = #map1}, {transform_indices = #map}, {transform_indices = #map}]} {
    %mul3A = arith.constant 2 : i32
    %mul3A_0 = arith.muli %arg1, %mul3A : i32
    %add3A = arith.addi %mul3A_0, %arg0 : i32
    %mul3A_1 = arith.constant 1024 : i32
    %mul3A_2 = arith.muli %add3A, %mul3A_1 : i32
    %multiple_of3A = tpu.assume_multiple %mul3A_2, 1024 : i32
    "tpu.region"() ({
      %run_scoped3A = tpu.sem_alloc : memref<!tpu.dma_semaphore, #tpu.memory_space<semaphore_mem>>
      %dma_start3A_47 = tpu.memref_slice %arg4[%multiple_of3A] : memref<32768xi32, #tpu.memory_space<hbm>> -> memref<1024xi32, #tpu.memory_space<hbm>>
      %dma_start3A_48 = tpu.memref_slice %arg4[%multiple_of3A] : memref<32768xi32, #tpu.memory_space<hbm>> -> memref<1024xi32, #tpu.memory_space<hbm>>
      tpu.enqueue_dma source(%dma_start3A_48 : memref<1024xi32, #tpu.memory_space<hbm>>) target(%arg7 : memref<1024xi32, #tpu.memory_space<vmem>>) target_semaphore(%run_scoped3A : memref<!tpu.dma_semaphore, #tpu.memory_space<semaphore_mem>>)
      %dma_wait3A = tpu.memref_slice %arg4[%multiple_of3A] : memref<32768xi32, #tpu.memory_space<hbm>> -> memref<1024xi32, #tpu.memory_space<hbm>>
      %dma_wait3A_49 = tpu.memref_slice %arg4[%multiple_of3A] : memref<32768xi32, #tpu.memory_space<hbm>> -> memref<1024xi32, #tpu.memory_space<hbm>>
      tpu.wait_dma2 semaphore(%run_scoped3A : memref<!tpu.dma_semaphore, #tpu.memory_space<semaphore_mem>>) src(%dma_wait3A_49 : memref<1024xi32, #tpu.memory_space<hbm>>) dst(%arg7 : memref<1024xi32, #tpu.memory_space<vmem>>)
      tpu.yield
    }) : () -> ()
    "tpu.region"() ({
      %run_scoped3A = tpu.sem_alloc : memref<!tpu.dma_semaphore, #tpu.memory_space<semaphore_mem>>
      tpu.enqueue_dma source(%arg5 : memref<4x1xi32, #tpu.memory_space<hbm>>) target(%arg8 : memref<4x1xi32, #tpu.memory_space<vmem>>) target_semaphore(%run_scoped3A : memref<!tpu.dma_semaphore, #tpu.memory_space<semaphore_mem>>)
      tpu.wait_dma2 semaphore(%run_scoped3A : memref<!tpu.dma_semaphore, #tpu.memory_space<semaphore_mem>>) src(%arg5 : memref<4x1xi32, #tpu.memory_space<hbm>>) dst(%arg8 : memref<4x1xi32, #tpu.memory_space<vmem>>)
      tpu.yield
    }) : () -> ()
    %multiple_of3A_3 = arith.constant 0 : i32
    %multiple_of3A_4 = tpu.assume_multiple %multiple_of3A_3, 32 : i32
    %dma_start3A = arith.constant 0 : i32
    %dma_start3A_5 = arith.constant 0 : i32
    %dma_start3A_6 = arith.constant 0 : i32
    %dma_start3A_7 = tpu.memref_slice %arg9[%dma_start3A, %dma_start3A_5, %dma_start3A_6] : memref<2x32x1024xf32, #tpu.memory_space<vmem>> -> memref<1x32x1024xf32, #tpu.memory_space<vmem>>
    %dma_start3A_8 = tpu.memref_squeeze %dma_start3A_7 : memref<1x32x1024xf32, #tpu.memory_space<vmem>> -> memref<32x1024xf32, #tpu.memory_space<vmem>>
    %dma_start3A_9 = tpu.memref_slice %arg7[%multiple_of3A_4] : memref<1024xi32, #tpu.memory_space<vmem>> -> memref<32xi32, #tpu.memory_space<vmem>>
    %dma_start3A_10 = arith.constant 0 : i32
    %dma_start3A_11 = arith.constant 0 : i32
    %dma_start3A_12 = tpu.memref_slice %arg2[%dma_start3A_10, %dma_start3A_11] : memref<100000x1024xf32, #tpu.memory_space<hbm>> -> memref<100000x1024xf32, #tpu.memory_space<hbm>>
    tpu.enqueue_indirect_dma source(%dma_start3A_12 : memref<100000x1024xf32, #tpu.memory_space<hbm>>) target(%dma_start3A_8 : memref<32x1024xf32, #tpu.memory_space<vmem>>) offsets(%dma_start3A_9 : memref<32xi32, #tpu.memory_space<vmem>>) semaphore(%arg11 : memref<!tpu.dma_semaphore, #tpu.memory_space<semaphore_mem>>)
    %multiple_of3A_13 = arith.constant 32 : i32
    %multiple_of3A_14 = tpu.assume_multiple %multiple_of3A_13, 32 : i32
    %dma_start3A_15 = arith.constant 1 : i32
    %dma_start3A_16 = arith.constant 0 : i32
    %dma_start3A_17 = arith.constant 0 : i32
    %dma_start3A_18 = tpu.memref_slice %arg9[%dma_start3A_15, %dma_start3A_16, %dma_start3A_17] : memref<2x32x1024xf32, #tpu.memory_space<vmem>> -> memref<1x32x1024xf32, #tpu.memory_space<vmem>>
    %dma_start3A_19 = tpu.memref_squeeze %dma_start3A_18 : memref<1x32x1024xf32, #tpu.memory_space<vmem>> -> memref<32x1024xf32, #tpu.memory_space<vmem>>
    %dma_start3A_20 = tpu.memref_slice %arg7[%multiple_of3A_14] : memref<1024xi32, #tpu.memory_space<vmem>> -> memref<32xi32, #tpu.memory_space<vmem>>
    %dma_start3A_21 = arith.constant 0 : i32
    %dma_start3A_22 = arith.constant 0 : i32
    %dma_start3A_23 = tpu.memref_slice %arg2[%dma_start3A_21, %dma_start3A_22] : memref<100000x1024xf32, #tpu.memory_space<hbm>> -> memref<100000x1024xf32, #tpu.memory_space<hbm>>
    tpu.enqueue_indirect_dma source(%dma_start3A_23 : memref<100000x1024xf32, #tpu.memory_space<hbm>>) target(%dma_start3A_19 : memref<32x1024xf32, #tpu.memory_space<vmem>>) offsets(%dma_start3A_20 : memref<32xi32, #tpu.memory_space<vmem>>) semaphore(%arg12 : memref<!tpu.dma_semaphore, #tpu.memory_space<semaphore_mem>>)
    %scan3A = arith.constant 0 : i32
    %scan3A_24 = arith.constant 0 : i32
    %scan3A_25 = arith.constant 16 : i32
    %scan3A_26 = arith.addi %scan3A_24, %scan3A_25 : i32
    %scan3A_27 = arith.constant 1 : i32
    %scan3A_28 = scf.for %scan3A_47 = %scan3A_24 to %scan3A_26 step %scan3A_27 iter_args(%scan3A_48 = %scan3A) -> (i32)  : i32 {
      %mul3A_49 = arith.constant 2 : i32
      %mul3A_50 = arith.muli %scan3A_47, %mul3A_49 : i32
      %add3A_51 = arith.constant 0 : i32
      %add3A_52 = arith.addi %mul3A_50, %add3A_51 : i32
      %mul3A_53 = arith.constant 32 : i32
      %mul3A_54 = arith.muli %add3A_52, %mul3A_53 : i32
      %multiple_of3A_55 = tpu.assume_multiple %mul3A_54, 32 : i32
      %dma_wait3A = arith.constant 0 : i32
      %dma_wait3A_56 = arith.constant 0 : i32
      %dma_wait3A_57 = arith.constant 0 : i32
      %dma_wait3A_58 = tpu.memref_slice %arg9[%dma_wait3A, %dma_wait3A_56, %dma_wait3A_57] : memref<2x32x1024xf32, #tpu.memory_space<vmem>> -> memref<1x32x1024xf32, #tpu.memory_space<vmem>>
      %dma_wait3A_59 = tpu.memref_squeeze %dma_wait3A_58 : memref<1x32x1024xf32, #tpu.memory_space<vmem>> -> memref<32x1024xf32, #tpu.memory_space<vmem>>
      %dma_wait3A_60 = tpu.memref_slice %arg7[%multiple_of3A_55] : memref<1024xi32, #tpu.memory_space<vmem>> -> memref<32xi32, #tpu.memory_space<vmem>>
      %dma_wait3A_61 = arith.constant 0 : i32
      %dma_wait3A_62 = arith.constant 0 : i32
      %dma_wait3A_63 = tpu.memref_slice %arg2[%dma_wait3A_61, %dma_wait3A_62] : memref<100000x1024xf32, #tpu.memory_space<hbm>> -> memref<100000x1024xf32, #tpu.memory_space<hbm>>
      tpu.wait_indirect_dma semaphore(%arg11 : memref<!tpu.dma_semaphore, #tpu.memory_space<semaphore_mem>>) src(%dma_wait3A_63 : memref<100000x1024xf32, #tpu.memory_space<hbm>>) dst(%dma_wait3A_59 : memref<32x1024xf32, #tpu.memory_space<vmem>>)
      %mul3A_64 = arith.constant 32 : i32
      %mul3A_65 = arith.muli %add3A_52, %mul3A_64 : i32
      %multiple_of3A_66 = tpu.assume_multiple %mul3A_65, 32 : i32
      %add3A_67 = arith.addi %multiple_of3A, %multiple_of3A_66 : i32
      %dma_start3A_68 = arith.constant 0 : i32
      %dma_start3A_69 = arith.constant 0 : i32
      %dma_start3A_70 = arith.constant 0 : i32
      %dma_start3A_71 = tpu.memref_slice %arg9[%dma_start3A_68, %dma_start3A_69, %dma_start3A_70] : memref<2x32x1024xf32, #tpu.memory_space<vmem>> -> memref<1x32x1024xf32, #tpu.memory_space<vmem>>
      %dma_start3A_72 = tpu.memref_squeeze %dma_start3A_71 : memref<1x32x1024xf32, #tpu.memory_space<vmem>> -> memref<32x1024xf32, #tpu.memory_space<vmem>>
      %dma_start3A_73 = arith.constant 0 : i32
      %dma_start3A_74 = tpu.memref_slice %arg6[%add3A_67, %dma_start3A_73] : memref<32768x1024xf32, #tpu.memory_space<hbm>> -> memref<32x1024xf32, #tpu.memory_space<hbm>>
      %dma_start3A_75 = arith.constant 0 : i32
      %dma_start3A_76 = tpu.memref_slice %arg6[%add3A_67, %dma_start3A_75] : memref<32768x1024xf32, #tpu.memory_space<hbm>> -> memref<32x1024xf32, #tpu.memory_space<hbm>>
      %dma_start3A_77 = arith.constant 0 : i32
      %dma_start3A_78 = arith.constant 0 : i32
      %dma_start3A_79 = tpu.memref_slice %arg9[%dma_start3A_68, %dma_start3A_77, %dma_start3A_78] : memref<2x32x1024xf32, #tpu.memory_space<vmem>> -> memref<1x32x1024xf32, #tpu.memory_space<vmem>>
      %dma_start3A_80 = tpu.memref_squeeze %dma_start3A_79 : memref<1x32x1024xf32, #tpu.memory_space<vmem>> -> memref<32x1024xf32, #tpu.memory_space<vmem>>
      tpu.enqueue_dma source(%dma_start3A_80 : memref<32x1024xf32, #tpu.memory_space<vmem>>) target(%dma_start3A_76 : memref<32x1024xf32, #tpu.memory_space<hbm>>) target_semaphore(%arg13 : memref<!tpu.dma_semaphore, #tpu.memory_space<semaphore_mem>>)
      %mul3A_81 = arith.constant 32 : i32
      %mul3A_82 = arith.muli %add3A_52, %mul3A_81 : i32
      %multiple_of3A_83 = tpu.assume_multiple %mul3A_82, 32 : i32
      %add3A_84 = arith.addi %multiple_of3A, %multiple_of3A_83 : i32
      %dma_wait3A_85 = arith.constant 0 : i32
      %dma_wait3A_86 = arith.constant 0 : i32
      %dma_wait3A_87 = arith.constant 0 : i32
      %dma_wait3A_88 = tpu.memref_slice %arg9[%dma_wait3A_85, %dma_wait3A_86, %dma_wait3A_87] : memref<2x32x1024xf32, #tpu.memory_space<vmem>> -> memref<1x32x1024xf32, #tpu.memory_space<vmem>>
      %dma_wait3A_89 = tpu.memref_squeeze %dma_wait3A_88 : memref<1x32x1024xf32, #tpu.memory_space<vmem>> -> memref<32x1024xf32, #tpu.memory_space<vmem>>
      %dma_wait3A_90 = arith.constant 0 : i32
      %dma_wait3A_91 = tpu.memref_slice %arg6[%add3A_84, %dma_wait3A_90] : memref<32768x1024xf32, #tpu.memory_space<hbm>> -> memref<32x1024xf32, #tpu.memory_space<hbm>>
      %dma_wait3A_92 = arith.constant 0 : i32
      %dma_wait3A_93 = tpu.memref_slice %arg6[%add3A_84, %dma_wait3A_92] : memref<32768x1024xf32, #tpu.memory_space<hbm>> -> memref<32x1024xf32, #tpu.memory_space<hbm>>
      %dma_wait3A_94 = arith.constant 0 : i32
      %dma_wait3A_95 = arith.constant 0 : i32
      %dma_wait3A_96 = tpu.memref_slice %arg9[%dma_wait3A_85, %dma_wait3A_94, %dma_wait3A_95] : memref<2x32x1024xf32, #tpu.memory_space<vmem>> -> memref<1x32x1024xf32, #tpu.memory_space<vmem>>
      %dma_wait3A_97 = tpu.memref_squeeze %dma_wait3A_96 : memref<1x32x1024xf32, #tpu.memory_space<vmem>> -> memref<32x1024xf32, #tpu.memory_space<vmem>>
      tpu.wait_dma2 semaphore(%arg13 : memref<!tpu.dma_semaphore, #tpu.memory_space<semaphore_mem>>) src(%dma_wait3A_97 : memref<32x1024xf32, #tpu.memory_space<vmem>>) dst(%dma_wait3A_93 : memref<32x1024xf32, #tpu.memory_space<hbm>>)
      %add3A_98 = arith.constant 1 : i32
      %add3A_99 = arith.addi %scan3A_47, %add3A_98 : i32
      %lt3A = arith.constant 16 : i32
      %lt3A_100 = arith.cmpi slt, %add3A_99, %lt3A : i32
      %convert_element_type3A_101 = arith.extui %lt3A_100 : i1 to i32
      %cond3A_102 = arith.constant 0 : i32
      %cond3A_103 = arith.cmpi ne, %convert_element_type3A_101, %cond3A_102 : i32
      scf.if %cond3A_103 {
        %add3A_160 = arith.constant 2 : i32
        %add3A_161 = arith.addi %add3A_52, %add3A_160 : i32
        %mul3A_162 = arith.constant 32 : i32
        %mul3A_163 = arith.muli %add3A_161, %mul3A_162 : i32
        %multiple_of3A_164 = tpu.assume_multiple %mul3A_163, 32 : i32
        %dma_start3A_165 = arith.constant 0 : i32
        %dma_start3A_166 = arith.constant 0 : i32
        %dma_start3A_167 = arith.constant 0 : i32
        %dma_start3A_168 = tpu.memref_slice %arg9[%dma_start3A_165, %dma_start3A_166, %dma_start3A_167] : memref<2x32x1024xf32, #tpu.memory_space<vmem>> -> memref<1x32x1024xf32, #tpu.memory_space<vmem>>
        %dma_start3A_169 = tpu.memref_squeeze %dma_start3A_168 : memref<1x32x1024xf32, #tpu.memory_space<vmem>> -> memref<32x1024xf32, #tpu.memory_space<vmem>>
        %dma_start3A_170 = tpu.memref_slice %arg7[%multiple_of3A_164] : memref<1024xi32, #tpu.memory_space<vmem>> -> memref<32xi32, #tpu.memory_space<vmem>>
        %dma_start3A_171 = arith.constant 0 : i32
        %dma_start3A_172 = arith.constant 0 : i32
        %dma_start3A_173 = tpu.memref_slice %arg2[%dma_start3A_171, %dma_start3A_172] : memref<100000x1024xf32, #tpu.memory_space<hbm>> -> memref<100000x1024xf32, #tpu.memory_space<hbm>>
        tpu.enqueue_indirect_dma source(%dma_start3A_173 : memref<100000x1024xf32, #tpu.memory_space<hbm>>) target(%dma_start3A_169 : memref<32x1024xf32, #tpu.memory_space<vmem>>) offsets(%dma_start3A_170 : memref<32xi32, #tpu.memory_space<vmem>>) semaphore(%arg11 : memref<!tpu.dma_semaphore, #tpu.memory_space<semaphore_mem>>)
      } else {
      }
      %add3A_104 = arith.constant 1 : i32
      %add3A_105 = arith.addi %mul3A_50, %add3A_104 : i32
      %mul3A_106 = arith.constant 32 : i32
      %mul3A_107 = arith.muli %add3A_105, %mul3A_106 : i32
      %multiple_of3A_108 = tpu.assume_multiple %mul3A_107, 32 : i32
      %dma_wait3A_109 = arith.constant 1 : i32
      %dma_wait3A_110 = arith.constant 0 : i32
      %dma_wait3A_111 = arith.constant 0 : i32
      %dma_wait3A_112 = tpu.memref_slice %arg9[%dma_wait3A_109, %dma_wait3A_110, %dma_wait3A_111] : memref<2x32x1024xf32, #tpu.memory_space<vmem>> -> memref<1x32x1024xf32, #tpu.memory_space<vmem>>
      %dma_wait3A_113 = tpu.memref_squeeze %dma_wait3A_112 : memref<1x32x1024xf32, #tpu.memory_space<vmem>> -> memref<32x1024xf32, #tpu.memory_space<vmem>>
      %dma_wait3A_114 = tpu.memref_slice %arg7[%multiple_of3A_108] : memref<1024xi32, #tpu.memory_space<vmem>> -> memref<32xi32, #tpu.memory_space<vmem>>
      %dma_wait3A_115 = arith.constant 0 : i32
      %dma_wait3A_116 = arith.constant 0 : i32
      %dma_wait3A_117 = tpu.memref_slice %arg2[%dma_wait3A_115, %dma_wait3A_116] : memref<100000x1024xf32, #tpu.memory_space<hbm>> -> memref<100000x1024xf32, #tpu.memory_space<hbm>>
      tpu.wait_indirect_dma semaphore(%arg12 : memref<!tpu.dma_semaphore, #tpu.memory_space<semaphore_mem>>) src(%dma_wait3A_117 : memref<100000x1024xf32, #tpu.memory_space<hbm>>) dst(%dma_wait3A_113 : memref<32x1024xf32, #tpu.memory_space<vmem>>)
      %mul3A_118 = arith.constant 32 : i32
      %mul3A_119 = arith.muli %add3A_105, %mul3A_118 : i32
      %multiple_of3A_120 = tpu.assume_multiple %mul3A_119, 32 : i32
      %add3A_121 = arith.addi %multiple_of3A, %multiple_of3A_120 : i32
      %dma_start3A_122 = arith.constant 1 : i32
      %dma_start3A_123 = arith.constant 0 : i32
      %dma_start3A_124 = arith.constant 0 : i32
      %dma_start3A_125 = tpu.memref_slice %arg9[%dma_start3A_122, %dma_start3A_123, %dma_start3A_124] : memref<2x32x1024xf32, #tpu.memory_space<vmem>> -> memref<1x32x1024xf32, #tpu.memory_space<vmem>>
      %dma_start3A_126 = tpu.memref_squeeze %dma_start3A_125 : memref<1x32x1024xf32, #tpu.memory_space<vmem>> -> memref<32x1024xf32, #tpu.memory_space<vmem>>
      %dma_start3A_127 = arith.constant 0 : i32
      %dma_start3A_128 = tpu.memref_slice %arg6[%add3A_121, %dma_start3A_127] : memref<32768x1024xf32, #tpu.memory_space<hbm>> -> memref<32x1024xf32, #tpu.memory_space<hbm>>
      %dma_start3A_129 = arith.constant 0 : i32
      %dma_start3A_130 = tpu.memref_slice %arg6[%add3A_121, %dma_start3A_129] : memref<32768x1024xf32, #tpu.memory_space<hbm>> -> memref<32x1024xf32, #tpu.memory_space<hbm>>
      %dma_start3A_131 = arith.constant 0 : i32
      %dma_start3A_132 = arith.constant 0 : i32
      %dma_start3A_133 = tpu.memref_slice %arg9[%dma_start3A_122, %dma_start3A_131, %dma_start3A_132] : memref<2x32x1024xf32, #tpu.memory_space<vmem>> -> memref<1x32x1024xf32, #tpu.memory_space<vmem>>
      %dma_start3A_134 = tpu.memref_squeeze %dma_start3A_133 : memref<1x32x1024xf32, #tpu.memory_space<vmem>> -> memref<32x1024xf32, #tpu.memory_space<vmem>>
      tpu.enqueue_dma source(%dma_start3A_134 : memref<32x1024xf32, #tpu.memory_space<vmem>>) target(%dma_start3A_130 : memref<32x1024xf32, #tpu.memory_space<hbm>>) target_semaphore(%arg14 : memref<!tpu.dma_semaphore, #tpu.memory_space<semaphore_mem>>)
      %mul3A_135 = arith.constant 32 : i32
      %mul3A_136 = arith.muli %add3A_105, %mul3A_135 : i32
      %multiple_of3A_137 = tpu.assume_multiple %mul3A_136, 32 : i32
      %add3A_138 = arith.addi %multiple_of3A, %multiple_of3A_137 : i32
      %dma_wait3A_139 = arith.constant 1 : i32
      %dma_wait3A_140 = arith.constant 0 : i32
      %dma_wait3A_141 = arith.constant 0 : i32
      %dma_wait3A_142 = tpu.memref_slice %arg9[%dma_wait3A_139, %dma_wait3A_140, %dma_wait3A_141] : memref<2x32x1024xf32, #tpu.memory_space<vmem>> -> memref<1x32x1024xf32, #tpu.memory_space<vmem>>
      %dma_wait3A_143 = tpu.memref_squeeze %dma_wait3A_142 : memref<1x32x1024xf32, #tpu.memory_space<vmem>> -> memref<32x1024xf32, #tpu.memory_space<vmem>>
      %dma_wait3A_144 = arith.constant 0 : i32
      %dma_wait3A_145 = tpu.memref_slice %arg6[%add3A_138, %dma_wait3A_144] : memref<32768x1024xf32, #tpu.memory_space<hbm>> -> memref<32x1024xf32, #tpu.memory_space<hbm>>
      %dma_wait3A_146 = arith.constant 0 : i32
      %dma_wait3A_147 = tpu.memref_slice %arg6[%add3A_138, %dma_wait3A_146] : memref<32768x1024xf32, #tpu.memory_space<hbm>> -> memref<32x1024xf32, #tpu.memory_space<hbm>>
      %dma_wait3A_148 = arith.constant 0 : i32
      %dma_wait3A_149 = arith.constant 0 : i32
      %dma_wait3A_150 = tpu.memref_slice %arg9[%dma_wait3A_139, %dma_wait3A_148, %dma_wait3A_149] : memref<2x32x1024xf32, #tpu.memory_space<vmem>> -> memref<1x32x1024xf32, #tpu.memory_space<vmem>>
      %dma_wait3A_151 = tpu.memref_squeeze %dma_wait3A_150 : memref<1x32x1024xf32, #tpu.memory_space<vmem>> -> memref<32x1024xf32, #tpu.memory_space<vmem>>
      tpu.wait_dma2 semaphore(%arg14 : memref<!tpu.dma_semaphore, #tpu.memory_space<semaphore_mem>>) src(%dma_wait3A_151 : memref<32x1024xf32, #tpu.memory_space<vmem>>) dst(%dma_wait3A_147 : memref<32x1024xf32, #tpu.memory_space<hbm>>)
      %add3A_152 = arith.constant 1 : i32
      %add3A_153 = arith.addi %scan3A_47, %add3A_152 : i32
      %lt3A_154 = arith.constant 16 : i32
      %lt3A_155 = arith.cmpi slt, %add3A_153, %lt3A_154 : i32
      %convert_element_type3A_156 = arith.extui %lt3A_155 : i1 to i32
      %cond3A_157 = arith.constant 0 : i32
      %cond3A_158 = arith.cmpi ne, %convert_element_type3A_156, %cond3A_157 : i32
      scf.if %cond3A_158 {
        %add3A_160 = arith.constant 2 : i32
        %add3A_161 = arith.addi %add3A_105, %add3A_160 : i32
        %mul3A_162 = arith.constant 32 : i32
        %mul3A_163 = arith.muli %add3A_161, %mul3A_162 : i32
        %multiple_of3A_164 = tpu.assume_multiple %mul3A_163, 32 : i32
        %dma_start3A_165 = arith.constant 1 : i32
        %dma_start3A_166 = arith.constant 0 : i32
        %dma_start3A_167 = arith.constant 0 : i32
        %dma_start3A_168 = tpu.memref_slice %arg9[%dma_start3A_165, %dma_start3A_166, %dma_start3A_167] : memref<2x32x1024xf32, #tpu.memory_space<vmem>> -> memref<1x32x1024xf32, #tpu.memory_space<vmem>>
        %dma_start3A_169 = tpu.memref_squeeze %dma_start3A_168 : memref<1x32x1024xf32, #tpu.memory_space<vmem>> -> memref<32x1024xf32, #tpu.memory_space<vmem>>
        %dma_start3A_170 = tpu.memref_slice %arg7[%multiple_of3A_164] : memref<1024xi32, #tpu.memory_space<vmem>> -> memref<32xi32, #tpu.memory_space<vmem>>
        %dma_start3A_171 = arith.constant 0 : i32
        %dma_start3A_172 = arith.constant 0 : i32
        %dma_start3A_173 = tpu.memref_slice %arg2[%dma_start3A_171, %dma_start3A_172] : memref<100000x1024xf32, #tpu.memory_space<hbm>> -> memref<100000x1024xf32, #tpu.memory_space<hbm>>
        tpu.enqueue_indirect_dma source(%dma_start3A_173 : memref<100000x1024xf32, #tpu.memory_space<hbm>>) target(%dma_start3A_169 : memref<32x1024xf32, #tpu.memory_space<vmem>>) offsets(%dma_start3A_170 : memref<32xi32, #tpu.memory_space<vmem>>) semaphore(%arg12 : memref<!tpu.dma_semaphore, #tpu.memory_space<semaphore_mem>>)
      } else {
      }
      %scan3A_159 = arith.constant 0 : i32
      scf.yield %scan3A_159 : i32
    }
    %scan3A_29 = arith.constant 16 : i32
    %eq3A = arith.constant 0 : i32
    %eq3A_30 = arith.cmpi eq, %add3A, %eq3A : i32
    %convert_element_type3A = arith.extui %eq3A_30 : i1 to i32
    %cond3A = arith.constant 0 : i32
    %cond3A_31 = arith.cmpi ne, %convert_element_type3A, %cond3A : i32
    scf.if %cond3A_31 {
      %dma_start3A_47 = arith.constant 0 : i32
      %dma_start3A_48 = arith.constant 0 : i32
      %dma_start3A_49 = tpu.memref_slice %arg8[%dma_start3A_47, %dma_start3A_48] : memref<4x1xi32, #tpu.memory_space<vmem>> -> memref<1x1xi32, #tpu.memory_space<vmem>>
      %dma_start3A_50 = tpu.memref_squeeze %dma_start3A_49 : memref<1x1xi32, #tpu.memory_space<vmem>> -> memref<1xi32, #tpu.memory_space<vmem>>
      %dma_start3A_51 = arith.constant 0 : i32
      %dma_start3A_52 = arith.constant 0 : i32
      %dma_start3A_53 = tpu.memref_slice %arg3[%dma_start3A_51, %dma_start3A_52] : memref<2048x1024xf32, #tpu.memory_space<hbm>> -> memref<2048x1024xf32, #tpu.memory_space<hbm>>
      tpu.enqueue_indirect_dma source(%dma_start3A_53 : memref<2048x1024xf32, #tpu.memory_space<hbm>>) target(%arg10 : memref<1x1024xf32, #tpu.memory_space<vmem>>) offsets(%dma_start3A_50 : memref<1xi32, #tpu.memory_space<vmem>>) semaphore(%arg15 : memref<!tpu.dma_semaphore, #tpu.memory_space<semaphore_mem>>)
      %dma_wait3A = arith.constant 0 : i32
      %dma_wait3A_54 = arith.constant 0 : i32
      %dma_wait3A_55 = tpu.memref_slice %arg8[%dma_wait3A, %dma_wait3A_54] : memref<4x1xi32, #tpu.memory_space<vmem>> -> memref<1x1xi32, #tpu.memory_space<vmem>>
      %dma_wait3A_56 = tpu.memref_squeeze %dma_wait3A_55 : memref<1x1xi32, #tpu.memory_space<vmem>> -> memref<1xi32, #tpu.memory_space<vmem>>
      %dma_wait3A_57 = arith.constant 0 : i32
      %dma_wait3A_58 = arith.constant 0 : i32
      %dma_wait3A_59 = tpu.memref_slice %arg3[%dma_wait3A_57, %dma_wait3A_58] : memref<2048x1024xf32, #tpu.memory_space<hbm>> -> memref<2048x1024xf32, #tpu.memory_space<hbm>>
      tpu.wait_indirect_dma semaphore(%arg15 : memref<!tpu.dma_semaphore, #tpu.memory_space<semaphore_mem>>) src(%dma_wait3A_59 : memref<2048x1024xf32, #tpu.memory_space<hbm>>) dst(%arg10 : memref<1x1024xf32, #tpu.memory_space<vmem>>)
      %add3A_60 = arith.constant 1 : i32
      %add3A_61 = arith.addi %multiple_of3A, %add3A_60 : i32
      "tpu.region"() ({
        %run_scoped3A = tpu.sem_alloc : memref<!tpu.dma_semaphore, #tpu.memory_space<semaphore_mem>>
        %dma_start3A_62 = arith.constant 0 : i32
        %dma_start3A_63 = tpu.memref_slice %arg6[%add3A_61, %dma_start3A_62] : memref<32768x1024xf32, #tpu.memory_space<hbm>> -> memref<1x1024xf32, #tpu.memory_space<hbm>>
        %dma_start3A_64 = arith.constant 0 : i32
        %dma_start3A_65 = tpu.memref_slice %arg6[%add3A_61, %dma_start3A_64] : memref<32768x1024xf32, #tpu.memory_space<hbm>> -> memref<1x1024xf32, #tpu.memory_space<hbm>>
        tpu.enqueue_dma source(%arg10 : memref<1x1024xf32, #tpu.memory_space<vmem>>) target(%dma_start3A_65 : memref<1x1024xf32, #tpu.memory_space<hbm>>) target_semaphore(%run_scoped3A : memref<!tpu.dma_semaphore, #tpu.memory_space<semaphore_mem>>)
        %dma_wait3A_66 = arith.constant 0 : i32
        %dma_wait3A_67 = tpu.memref_slice %arg6[%add3A_61, %dma_wait3A_66] : memref<32768x1024xf32, #tpu.memory_space<hbm>> -> memref<1x1024xf32, #tpu.memory_space<hbm>>
        %dma_wait3A_68 = arith.constant 0 : i32
        %dma_wait3A_69 = tpu.memref_slice %arg6[%add3A_61, %dma_wait3A_68] : memref<32768x1024xf32, #tpu.memory_space<hbm>> -> memref<1x1024xf32, #tpu.memory_space<hbm>>
        tpu.wait_dma2 semaphore(%run_scoped3A : memref<!tpu.dma_semaphore, #tpu.memory_space<semaphore_mem>>) src(%arg10 : memref<1x1024xf32, #tpu.memory_space<vmem>>) dst(%dma_wait3A_69 : memref<1x1024xf32, #tpu.memory_space<hbm>>)
        tpu.yield
      }) : () -> ()
    } else {
    }
    %eq3A_32 = arith.constant 8 : i32
    %eq3A_33 = arith.cmpi eq, %add3A, %eq3A_32 : i32
    %convert_element_type3A_34 = arith.extui %eq3A_33 : i1 to i32
    %cond3A_35 = arith.constant 0 : i32
    %cond3A_36 = arith.cmpi ne, %convert_element_type3A_34, %cond3A_35 : i32
    scf.if %cond3A_36 {
      %dma_start3A_47 = arith.constant 1 : i32
      %dma_start3A_48 = arith.constant 0 : i32
      %dma_start3A_49 = tpu.memref_slice %arg8[%dma_start3A_47, %dma_start3A_48] : memref<4x1xi32, #tpu.memory_space<vmem>> -> memref<1x1xi32, #tpu.memory_space<vmem>>
      %dma_start3A_50 = tpu.memref_squeeze %dma_start3A_49 : memref<1x1xi32, #tpu.memory_space<vmem>> -> memref<1xi32, #tpu.memory_space<vmem>>
      %dma_start3A_51 = arith.constant 0 : i32
      %dma_start3A_52 = arith.constant 0 : i32
      %dma_start3A_53 = tpu.memref_slice %arg3[%dma_start3A_51, %dma_start3A_52] : memref<2048x1024xf32, #tpu.memory_space<hbm>> -> memref<2048x1024xf32, #tpu.memory_space<hbm>>
      tpu.enqueue_indirect_dma source(%dma_start3A_53 : memref<2048x1024xf32, #tpu.memory_space<hbm>>) target(%arg10 : memref<1x1024xf32, #tpu.memory_space<vmem>>) offsets(%dma_start3A_50 : memref<1xi32, #tpu.memory_space<vmem>>) semaphore(%arg15 : memref<!tpu.dma_semaphore, #tpu.memory_space<semaphore_mem>>)
      %dma_wait3A = arith.constant 1 : i32
      %dma_wait3A_54 = arith.constant 0 : i32
      %dma_wait3A_55 = tpu.memref_slice %arg8[%dma_wait3A, %dma_wait3A_54] : memref<4x1xi32, #tpu.memory_space<vmem>> -> memref<1x1xi32, #tpu.memory_space<vmem>>
      %dma_wait3A_56 = tpu.memref_squeeze %dma_wait3A_55 : memref<1x1xi32, #tpu.memory_space<vmem>> -> memref<1xi32, #tpu.memory_space<vmem>>
      %dma_wait3A_57 = arith.constant 0 : i32
      %dma_wait3A_58 = arith.constant 0 : i32
      %dma_wait3A_59 = tpu.memref_slice %arg3[%dma_wait3A_57, %dma_wait3A_58] : memref<2048x1024xf32, #tpu.memory_space<hbm>> -> memref<2048x1024xf32, #tpu.memory_space<hbm>>
      tpu.wait_indirect_dma semaphore(%arg15 : memref<!tpu.dma_semaphore, #tpu.memory_space<semaphore_mem>>) src(%dma_wait3A_59 : memref<2048x1024xf32, #tpu.memory_space<hbm>>) dst(%arg10 : memref<1x1024xf32, #tpu.memory_space<vmem>>)
      %add3A_60 = arith.constant 1 : i32
      %add3A_61 = arith.addi %multiple_of3A, %add3A_60 : i32
      "tpu.region"() ({
        %run_scoped3A = tpu.sem_alloc : memref<!tpu.dma_semaphore, #tpu.memory_space<semaphore_mem>>
        %dma_start3A_62 = arith.constant 0 : i32
        %dma_start3A_63 = tpu.memref_slice %arg6[%add3A_61, %dma_start3A_62] : memref<32768x1024xf32, #tpu.memory_space<hbm>> -> memref<1x1024xf32, #tpu.memory_space<hbm>>
        %dma_start3A_64 = arith.constant 0 : i32
        %dma_start3A_65 = tpu.memref_slice %arg6[%add3A_61, %dma_start3A_64] : memref<32768x1024xf32, #tpu.memory_space<hbm>> -> memref<1x1024xf32, #tpu.memory_space<hbm>>
        tpu.enqueue_dma source(%arg10 : memref<1x1024xf32, #tpu.memory_space<vmem>>) target(%dma_start3A_65 : memref<1x1024xf32, #tpu.memory_space<hbm>>) target_semaphore(%run_scoped3A : memref<!tpu.dma_semaphore, #tpu.memory_space<semaphore_mem>>)
        %dma_wait3A_66 = arith.constant 0 : i32
        %dma_wait3A_67 = tpu.memref_slice %arg6[%add3A_61, %dma_wait3A_66] : memref<32768x1024xf32, #tpu.memory_space<hbm>> -> memref<1x1024xf32, #tpu.memory_space<hbm>>
        %dma_wait3A_68 = arith.constant 0 : i32
        %dma_wait3A_69 = tpu.memref_slice %arg6[%add3A_61, %dma_wait3A_68] : memref<32768x1024xf32, #tpu.memory_space<hbm>> -> memref<1x1024xf32, #tpu.memory_space<hbm>>
        tpu.wait_dma2 semaphore(%run_scoped3A : memref<!tpu.dma_semaphore, #tpu.memory_space<semaphore_mem>>) src(%arg10 : memref<1x1024xf32, #tpu.memory_space<vmem>>) dst(%dma_wait3A_69 : memref<1x1024xf32, #tpu.memory_space<hbm>>)
        tpu.yield
      }) : () -> ()
    } else {
    }
    %eq3A_37 = arith.constant 16 : i32
    %eq3A_38 = arith.cmpi eq, %add3A, %eq3A_37 : i32
    %convert_element_type3A_39 = arith.extui %eq3A_38 : i1 to i32
    %cond3A_40 = arith.constant 0 : i32
    %cond3A_41 = arith.cmpi ne, %convert_element_type3A_39, %cond3A_40 : i32
    scf.if %cond3A_41 {
      %dma_start3A_47 = arith.constant 2 : i32
      %dma_start3A_48 = arith.constant 0 : i32
      %dma_start3A_49 = tpu.memref_slice %arg8[%dma_start3A_47, %dma_start3A_48] : memref<4x1xi32, #tpu.memory_space<vmem>> -> memref<1x1xi32, #tpu.memory_space<vmem>>
      %dma_start3A_50 = tpu.memref_squeeze %dma_start3A_49 : memref<1x1xi32, #tpu.memory_space<vmem>> -> memref<1xi32, #tpu.memory_space<vmem>>
      %dma_start3A_51 = arith.constant 0 : i32
      %dma_start3A_52 = arith.constant 0 : i32
      %dma_start3A_53 = tpu.memref_slice %arg3[%dma_start3A_51, %dma_start3A_52] : memref<2048x1024xf32, #tpu.memory_space<hbm>> -> memref<2048x1024xf32, #tpu.memory_space<hbm>>
      tpu.enqueue_indirect_dma source(%dma_start3A_53 : memref<2048x1024xf32, #tpu.memory_space<hbm>>) target(%arg10 : memref<1x1024xf32, #tpu.memory_space<vmem>>) offsets(%dma_start3A_50 : memref<1xi32, #tpu.memory_space<vmem>>) semaphore(%arg15 : memref<!tpu.dma_semaphore, #tpu.memory_space<semaphore_mem>>)
      %dma_wait3A = arith.constant 2 : i32
      %dma_wait3A_54 = arith.constant 0 : i32
      %dma_wait3A_55 = tpu.memref_slice %arg8[%dma_wait3A, %dma_wait3A_54] : memref<4x1xi32, #tpu.memory_space<vmem>> -> memref<1x1xi32, #tpu.memory_space<vmem>>
      %dma_wait3A_56 = tpu.memref_squeeze %dma_wait3A_55 : memref<1x1xi32, #tpu.memory_space<vmem>> -> memref<1xi32, #tpu.memory_space<vmem>>
      %dma_wait3A_57 = arith.constant 0 : i32
      %dma_wait3A_58 = arith.constant 0 : i32
      %dma_wait3A_59 = tpu.memref_slice %arg3[%dma_wait3A_57, %dma_wait3A_58] : memref<2048x1024xf32, #tpu.memory_space<hbm>> -> memref<2048x1024xf32, #tpu.memory_space<hbm>>
      tpu.wait_indirect_dma semaphore(%arg15 : memref<!tpu.dma_semaphore, #tpu.memory_space<semaphore_mem>>) src(%dma_wait3A_59 : memref<2048x1024xf32, #tpu.memory_space<hbm>>) dst(%arg10 : memref<1x1024xf32, #tpu.memory_space<vmem>>)
      %add3A_60 = arith.constant 1 : i32
      %add3A_61 = arith.addi %multiple_of3A, %add3A_60 : i32
      "tpu.region"() ({
        %run_scoped3A = tpu.sem_alloc : memref<!tpu.dma_semaphore, #tpu.memory_space<semaphore_mem>>
        %dma_start3A_62 = arith.constant 0 : i32
        %dma_start3A_63 = tpu.memref_slice %arg6[%add3A_61, %dma_start3A_62] : memref<32768x1024xf32, #tpu.memory_space<hbm>> -> memref<1x1024xf32, #tpu.memory_space<hbm>>
        %dma_start3A_64 = arith.constant 0 : i32
        %dma_start3A_65 = tpu.memref_slice %arg6[%add3A_61, %dma_start3A_64] : memref<32768x1024xf32, #tpu.memory_space<hbm>> -> memref<1x1024xf32, #tpu.memory_space<hbm>>
        tpu.enqueue_dma source(%arg10 : memref<1x1024xf32, #tpu.memory_space<vmem>>) target(%dma_start3A_65 : memref<1x1024xf32, #tpu.memory_space<hbm>>) target_semaphore(%run_scoped3A : memref<!tpu.dma_semaphore, #tpu.memory_space<semaphore_mem>>)
        %dma_wait3A_66 = arith.constant 0 : i32
        %dma_wait3A_67 = tpu.memref_slice %arg6[%add3A_61, %dma_wait3A_66] : memref<32768x1024xf32, #tpu.memory_space<hbm>> -> memref<1x1024xf32, #tpu.memory_space<hbm>>
        %dma_wait3A_68 = arith.constant 0 : i32
        %dma_wait3A_69 = tpu.memref_slice %arg6[%add3A_61, %dma_wait3A_68] : memref<32768x1024xf32, #tpu.memory_space<hbm>> -> memref<1x1024xf32, #tpu.memory_space<hbm>>
        tpu.wait_dma2 semaphore(%run_scoped3A : memref<!tpu.dma_semaphore, #tpu.memory_space<semaphore_mem>>) src(%arg10 : memref<1x1024xf32, #tpu.memory_space<vmem>>) dst(%dma_wait3A_69 : memref<1x1024xf32, #tpu.memory_space<hbm>>)
        tpu.yield
      }) : () -> ()
    } else {
    }
    %eq3A_42 = arith.constant 24 : i32
    %eq3A_43 = arith.cmpi eq, %add3A, %eq3A_42 : i32
    %convert_element_type3A_44 = arith.extui %eq3A_43 : i1 to i32
    %cond3A_45 = arith.constant 0 : i32
    %cond3A_46 = arith.cmpi ne, %convert_element_type3A_44, %cond3A_45 : i32
    scf.if %cond3A_46 {
      %dma_start3A_47 = arith.constant 3 : i32
      %dma_start3A_48 = arith.constant 0 : i32
      %dma_start3A_49 = tpu.memref_slice %arg8[%dma_start3A_47, %dma_start3A_48] : memref<4x1xi32, #tpu.memory_space<vmem>> -> memref<1x1xi32, #tpu.memory_space<vmem>>
      %dma_start3A_50 = tpu.memref_squeeze %dma_start3A_49 : memref<1x1xi32, #tpu.memory_space<vmem>> -> memref<1xi32, #tpu.memory_space<vmem>>
      %dma_start3A_51 = arith.constant 0 : i32
      %dma_start3A_52 = arith.constant 0 : i32
      %dma_start3A_53 = tpu.memref_slice %arg3[%dma_start3A_51, %dma_start3A_52] : memref<2048x1024xf32, #tpu.memory_space<hbm>> -> memref<2048x1024xf32, #tpu.memory_space<hbm>>
      tpu.enqueue_indirect_dma source(%dma_start3A_53 : memref<2048x1024xf32, #tpu.memory_space<hbm>>) target(%arg10 : memref<1x1024xf32, #tpu.memory_space<vmem>>) offsets(%dma_start3A_50 : memref<1xi32, #tpu.memory_space<vmem>>) semaphore(%arg15 : memref<!tpu.dma_semaphore, #tpu.memory_space<semaphore_mem>>)
      %dma_wait3A = arith.constant 3 : i32
      %dma_wait3A_54 = arith.constant 0 : i32
      %dma_wait3A_55 = tpu.memref_slice %arg8[%dma_wait3A, %dma_wait3A_54] : memref<4x1xi32, #tpu.memory_space<vmem>> -> memref<1x1xi32, #tpu.memory_space<vmem>>
      %dma_wait3A_56 = tpu.memref_squeeze %dma_wait3A_55 : memref<1x1xi32, #tpu.memory_space<vmem>> -> memref<1xi32, #tpu.memory_space<vmem>>
      %dma_wait3A_57 = arith.constant 0 : i32
      %dma_wait3A_58 = arith.constant 0 : i32
      %dma_wait3A_59 = tpu.memref_slice %arg3[%dma_wait3A_57, %dma_wait3A_58] : memref<2048x1024xf32, #tpu.memory_space<hbm>> -> memref<2048x1024xf32, #tpu.memory_space<hbm>>
      tpu.wait_indirect_dma semaphore(%arg15 : memref<!tpu.dma_semaphore, #tpu.memory_space<semaphore_mem>>) src(%dma_wait3A_59 : memref<2048x1024xf32, #tpu.memory_space<hbm>>) dst(%arg10 : memref<1x1024xf32, #tpu.memory_space<vmem>>)
      %add3A_60 = arith.constant 1 : i32
      %add3A_61 = arith.addi %multiple_of3A, %add3A_60 : i32
      "tpu.region"() ({
        %run_scoped3A = tpu.sem_alloc : memref<!tpu.dma_semaphore, #tpu.memory_space<semaphore_mem>>
        %dma_start3A_62 = arith.constant 0 : i32
        %dma_start3A_63 = tpu.memref_slice %arg6[%add3A_61, %dma_start3A_62] : memref<32768x1024xf32, #tpu.memory_space<hbm>> -> memref<1x1024xf32, #tpu.memory_space<hbm>>
        %dma_start3A_64 = arith.constant 0 : i32
        %dma_start3A_65 = tpu.memref_slice %arg6[%add3A_61, %dma_start3A_64] : memref<32768x1024xf32, #tpu.memory_space<hbm>> -> memref<1x1024xf32, #tpu.memory_space<hbm>>
        tpu.enqueue_dma source(%arg10 : memref<1x1024xf32, #tpu.memory_space<vmem>>) target(%dma_start3A_65 : memref<1x1024xf32, #tpu.memory_space<hbm>>) target_semaphore(%run_scoped3A : memref<!tpu.dma_semaphore, #tpu.memory_space<semaphore_mem>>)
        %dma_wait3A_66 = arith.constant 0 : i32
        %dma_wait3A_67 = tpu.memref_slice %arg6[%add3A_61, %dma_wait3A_66] : memref<32768x1024xf32, #tpu.memory_space<hbm>> -> memref<1x1024xf32, #tpu.memory_space<hbm>>
        %dma_wait3A_68 = arith.constant 0 : i32
        %dma_wait3A_69 = tpu.memref_slice %arg6[%add3A_61, %dma_wait3A_68] : memref<32768x1024xf32, #tpu.memory_space<hbm>> -> memref<1x1024xf32, #tpu.memory_space<hbm>>
        tpu.wait_dma2 semaphore(%run_scoped3A : memref<!tpu.dma_semaphore, #tpu.memory_space<semaphore_mem>>) src(%arg10 : memref<1x1024xf32, #tpu.memory_space<vmem>>) dst(%dma_wait3A_69 : memref<1x1024xf32, #tpu.memory_space<hbm>>)
        tpu.yield
      }) : () -> ()
    } else {
    }
    return
  }
}

</mosaic_0001>

<sc_bundles>
// kernel: kernel.3.cloned.1.call-start
scs
__scs_entry_jumppad:
0x0: {  	(pc) =	sbr.rel $0x88, $3  }
0x1: {  	(tag) =	ssettag $0x0;
	lr =	simm.s32 $0x1  }
0x2: {  	[smem:$0x3F9D] =	sst lr;
	_ =	strace $0xD0000000  }
0x3: {  	_ = 	snop  }
0x4: {  	_ = 	snop  }
0x5: {  	_ = 	snop  }
0x6: {  	_ = 	snop  }
0x7: {  	_ = 	snop  }
__scs_overlays_trampoline_lowered:
0x8: {  	[smem:$0x3FAC] =	sst s0  }
0x9: {  	[smem:$0x3FAD] =	sst s1  }
0xa: {  	[smem:$0x3FAE] =	sst s2  }
0xb: {  	[smem:$0x3FAF] =	sst s3  }
0xc: {  	[smem:$0x3FB0] =	sst s4  }
0xd: {  	[smem:$0x3FB1] =	sst s5  }
0xe: {  	[smem:$0x3FB2] =	sst s6  }
0xf: {  	[smem:$0x3FB3] =	sst s7  }
0x10: {  	[smem:$0x3FB4] =	sst s8  }
0x11: {  	[smem:$0x3FB5] =	sst s9;
	s0 =	simm.s32 @!p0 $0x0  }
0x12: {  	s1 =	sld [smem:$0x3F9B];
	s0 =	simm.s32 @p0 $0x1  }
0x13: {  	[smem:$0x3FB6] =	sst s0;
	s0 =	simm.s32 @!p1 $0x0  }
0x14: {  	s2 =	sld [smem:$0x3F9A];
	s0 =	simm.s32 @p1 $0x1  }
0x15: {  	[smem:$0x3FB7] =	sst s0;
	s0 =	simm.s32 @!p2 $0x0  }
0x16: {  	s3 =	sld [smem:$0x3FDB];
	s0 =	simm.s32 @p2 $0x1  }
0x17: {  	s4 =	simm.s32 $0x1BF5;
	[smem:$0x3FB9] =	sst s0  }
0x18: {  	s0 =	sld [smem:$0x3F9C];
	_ =	swait.ge [sflag:s4], $0x0  }
0x19: {  	s7 =	sld [smem:$0x3F9D]  }
0x1a: {  	s8 =	sadd.s32 $0xFFFFE003, lr  }
0x1b: {  	s9 =	sadd.s32 $0xFFFFFEF7, lr;
	s5 =	simm.s32 $0xFFFFFFFF;
	p2 =	slt.u32 s8, $0xFFFFF086  }
0x1c: {  	p1 =	slt.u32 s9, $0xF7A;
	s5 =	simm.s32 @!p2 $0x0  }
0x1d: {  	s5 =	simm.s32 @p1 $0x1;
	p0 =	seq.s32 s7, s2  }
0x1e: {  	s7 =	smul.u32 @!p0 $0xF7A, s2;
	p2 =	seq.s32 @!p0 s5, $0x0  }
0x1f: {  	s9 =	smul.u32 $0xF7A, s1;
	s8 =	simm.s32 @!p0 $0x1BF5;
	p2 =	por !p2, p0  }
0x20: {  	[sflag:s8] =	ssyncset.s32 @!p0 $0xFFFFF086;
	s6 =	sadd.s32 @!p0 s3, s7;
	s7 =	simm.s32 @!p0 $0x108  }
0x21: {  	s3 =	sadd.s32 s3, s9;
	s6 =	sadd.s32 @!p0 $0x88, s6;
	s7 =	simm.s32 @p2 $0x1082  }
0x22: {  	[simem:s7], [sflag:s8] =	dma.local @!p0 [hbm:s6], $0xF7A  }
0x23: {  	s9 =	sor.u32 $0xD0000000, s2;
	s6 =	simm.s32 $0x108;
	_ =	swait.ge @!p0 [sflag:s8], $0x0  }
0x24: {  	s3 =	sadd.s32 $0x88, s3;
	s6 =	simm.s32 @!p1 $0x1082;
	[sflag:s4] =	ssyncset.s32 $0xFFFFF086  }
0x25: {  	[simem:s6], [sflag:s4] =	dma.local [hbm:s3], $0xF7A  }
0x26: {  	[smem:$0x3F9D] =	sst s1;
	(tag) =	ssettag s2;
	_ =	strace s9  }
0x27: {  	s1 =	sld [smem:$0x3FAD]  }
0x28: {  	s2 =	sld [smem:$0x3FAE]  }
0x29: {  	s4 =	sld [smem:$0x3FB0]  }
0x2a: {  	p0 =	seq.s32 s5, $0x0;
	s5 =	sld [smem:$0x3FB1]  }
0x2b: {  	s6 =	sld [smem:$0x3FB2]  }
0x2c: {  	s7 =	sld [smem:$0x3FB3]  }
0x2d: {  	s3 =	simm.s32 $0x108;
	s8 =	sld [smem:$0x3FB4]  }
0x2e: {  	s3 =	simm.s32 @!p0 $0x1082;
	s9 =	sld [smem:$0x3FB5]  }
0x2f: {  	lr =	sadd.s32 s0, s3;
	s0 =	sld [smem:$0x3FAC]  }
0x30: {  	s3 =	sld [smem:$0x3FAF]  }
0x31: {  	[smem:$0x3FB8] =	sst s10  }
0x32: {  	s10 =	sld [smem:$0x3FB6];
	_ =	sdelay $0x3  }
0x33: {  	p0 =	seq.s32 s10, $0x1;
	s10 =	sld [smem:$0x3FB8];
	_ =	sdelay $0x3  }
0x34: {  	[smem:$0x3FB8] =	sst s10  }
0x35: {  	s10 =	sld [smem:$0x3FB7];
	_ =	sdelay $0x3  }
0x36: {  	p1 =	seq.s32 s10, $0x1;
	s10 =	sld [smem:$0x3FB8];
	_ =	sdelay $0x3  }
0x37: {  	[smem:$0x3FB8] =	sst s10  }
0x38: {  	s10 =	sld [smem:$0x3FB9]  }
0x39: {  	_ = 	snop;
	(pc) =	sbr.ind lr, $3  }
0x3a: {  	_ = 	snop  }
0x3b: {  	_ = 	snop  }
0x3c: {  	p2 =	seq.s32 s10, $0x1;
	s10 =	sld [smem:$0x3FB8]  }
0x3d: {  	_ =	shalt  }
0x3e: {  	_ =	shalt  }
0x3f: {  	_ =	shalt  }
0x40: {  	_ =	shalt  }
0x41: {  	_ =	shalt  }
0x42: {  	_ =	shalt  }
0x43: {  	_ =	shalt  }
0x44: {  	_ =	shalt  }
0x45: {  	_ =	shalt  }
0x46: {  	_ =	shalt  }
0x47: {  	_ =	shalt  }
0x48: {  	_ =	shalt  }
0x49: {  	_ =	shalt  }
0x4a: {  	_ =	shalt  }
0x4b: {  	_ =	shalt  }
0x4c: {  	_ =	shalt  }
0x4d: {  	_ =	shalt  }
0x4e: {  	_ =	shalt  }
0x4f: {  	_ =	shalt  }
0x50: {  	_ =	shalt  }
0x51: {  	_ =	shalt  }
0x52: {  	_ =	shalt  }
0x53: {  	_ =	shalt  }
0x54: {  	_ =	shalt  }
0x55: {  	_ =	shalt  }
0x56: {  	_ =	shalt  }
0x57: {  	_ =	shalt  }
0x58: {  	_ =	shalt  }
0x59: {  	_ =	shalt  }
0x5a: {  	_ =	shalt  }
0x5b: {  	_ =	shalt  }
0x5c: {  	_ =	shalt  }
0x5d: {  	_ =	shalt  }
0x5e: {  	_ =	shalt  }
0x5f: {  	_ =	shalt  }
0x60: {  	_ =	shalt  }
0x61: {  	_ =	shalt  }
0x62: {  	_ =	shalt  }
0x63: {  	_ =	shalt  }
0x64: {  	_ =	shalt  }
0x65: {  	_ =	shalt  }
0x66: {  	_ =	shalt  }
0x67: {  	_ =	shalt  }
0x68: {  	_ =	shalt  }
0x69: {  	_ =	shalt  }
0x6a: {  	_ =	shalt  }
0x6b: {  	_ =	shalt  }
0x6c: {  	_ =	shalt  }
0x6d: {  	_ =	shalt  }
0x6e: {  	_ =	shalt  }
0x6f: {  	_ =	shalt  }
0x70: {  	_ =	shalt  }
0x71: {  	_ =	shalt  }
0x72: {  	_ =	shalt  }
0x73: {  	_ =	shalt  }
0x74: {  	_ =	shalt  }
0x75: {  	_ =	shalt  }
0x76: {  	_ =	shalt  }
0x77: {  	_ =	shalt  }
0x78: {  	_ =	shalt  }
0x79: {  	_ =	shalt  }
0x7a: {  	_ =	shalt  }
0x7b: {  	_ =	shalt  }
0x7c: {  	_ =	shalt  }
0x7d: {  	_ =	shalt  }
0x7e: {  	_ =	shalt  }
0x7f: {  	_ =	shalt  }
0x80: {  	_ =	shalt  }
0x81: {  	_ =	shalt  }
0x82: {  	_ =	shalt  }
0x83: {  	_ =	shalt  }
0x84: {  	_ =	shalt  }
0x85: {  	_ =	shalt  }
0x86: {  	_ =	shalt  }
0x87: {  	_ =	shalt  }
.Lfunc_end0:
.L_simem_size_0:
called_computation_lowered:
.L_overlay_start_0:
0x88: {  	s2 =	sld [smem:$0x3FD9]  }
0x89: {  	s3 =	sld [smem:$0x3FFE];
	_ =	sdelay $0x1  }
0x8a: {  	s1 =	srdreg.scid  }
0x8b: {  	s0 =	sand.u32 $0x1, s1  }
0x8c: {  	s17 =	sshll.u32 s0, $0xA;
	s2 =	sadd.s32 s3, s2  }
0x8d: {  	s2 =	sadd.s32 s2, s17  }
0x8e: {  	[smem:$0x3FC4] =	sst s2  }
0x8f: {  	_ = 	snop  }
0x90: {  	s2 =	sld [smem:$0x3FC7]  }
0x91: {  	s18 =	sld [smem:$0x3FC6]  }
0x92: {  	s4 =	sld [smem:$0x3FD0];
	(tm) =	ssettm $0x1  }
0x93: {  	s5 =	sld [smem:$0x3FFB];
	_ =	sdelay $0x3  }
0x94: {  	_ =	strace s5  }
0x95: {  	s5 =	sld [smem:$0x3FFC];
	_ =	sdelay $0x3  }
0x96: {  	_ =	strace s5  }
0x97: {  	s5 =	sld [smem:$0x3FFD];
	_ =	sdelay $0x3  }
0x98: {  	_ =	strace s5  }
0x99: {  	_ =	strace $0x8FFFFFFF  }
0x9a: {  	s19 =	sld [smem:$0x3FDB];
	_ =	sdelay $0x1  }
0x9b: {  	s6 =	simm.s32 $_scs_section_size  }
0x9c: {  	s7 =	simm.s32 $_size__tile_overlayer_lowered;
	s8 =	simm.s32 $_tile_overlayer_lowered  }
0x9d: {  	s22 =	simm.s32 $0x1BFF;
	s21 =	sshll.u32 s8, $0x1;
	s5 =	sadd.s32 s6, s19  }
0x9e: {  	s9 =	simm.s32 $0x0;
	s20 =	sshll.u32 s7, $0x1;
	s7 =	sadd.s32 s21, s5  }
0x9f: {  	[timem:s9], [sflag:s22] =	dma.local [hbm:s7], s20  }
0xa0: {  	_ =	swait.ge [sflag:s22], s20  }
0xa1: {  	s6 =	ssub.s32 $0x0, s20;
	[sflag:s22] =	ssyncset.done $0x0  }
0xa2: {  	[sflag:s22] =	ssyncadd.s32 s6;
	_ =	sdelay $0x1  }
0xa3: {  	s23 =	simm.s32 $0x1B8B  }
0xa4: {  	_ =	swait.ge [sflag:s23], $0x1  }
0xa5: {  	[sflag:s23] =	ssyncset.done $0x0  }
0xa6: {  	s25 =	simm.s32 $0x1B8E;
	s24 =	sld [smem:$0x3FFE];
	[sflag:s23] =	ssyncadd.s32 $0xFFFFFFFF  }
0xa7: {  	s26 =	simm.s32 $execute0_lowered;
	[smem:$0x3FD2] =	sst s25  }
0xa8: {  	s7 =	sshll.u32 s26, $0x1;
	_ =	strace $0x80000046;
	[dreg:$0x1] =	wrdreg $0xFFFFFFFF  }
0xa9: {  	s28 =	simm.s32 $_size_execute0_lowered;
	s5 =	sadd.s32 s5, s7;
	[dreg:$0x0] =	wrdreg $0x0  }
0xaa: {  	s7 =	sshll.u32 s28, $0x1;
	[dreg:$0x2] =	wrdreg s5  }
0xab: {  	[dreg:$0x3] =	wrdreg s7  }
0xac: {  	[dreg:$0x4] =	wrdreg $0xC0  }
0xad: {  	_ =	task [dreg:s9], $0x5FFFF  }
0xae: {  	[dreg:$0x1] =	wrdreg $0xFFFFFFFF  }
0xaf: {  	[dreg:$0x0] =	wrdreg $0x60  }
0xb0: {  	[dreg:$0x2] =	wrdreg s2  }
0xb1: {  	[dreg:$0x3] =	wrdreg s18  }
0xb2: {  	[dreg:$0x4] =	wrdreg s24  }
0xb3: {  	[dreg:$0x5] =	wrdreg s4  }
0xb4: {  	[dreg:$0x6] =	wrdreg $0x9  }
0xb5: {  	_ =	task.clear_ibuf [dreg:s9], $0x7FFFF;
	_ =	strace $0x90000046  }
0xb6: {  	s29 =	simm.s32 $0x9;
	_ =	strace $0x80000048  }
0xb7: {  	_ =	swait.ge [sflag:s29], $0x1  }
0xb8: {  	[sflag:s29] =	ssyncadd.s32 $0xFFFFFFFF  }
0xb9: {  	_ =	strace $0x90000048  }
0xba: {  	_ =	sfence  }
0xbb: {  	s30 =	sld [smem:$0x0];
	_ =	sdelay $0x2  }
0xbc: {  	s31 =	sshll.u32 s1, $0xD;
	s1 =	sshrl.u32 s1, $0x2  }
0xbd: {  	s3 =	sand.u32 $0x4000, s31;
	s1 =	sadd.s32 s1, s30  }
0xbe: {  	s0 =	sor.u32 s3, s0;
	s1 =	sshll.u32 s1, $0x11  }
0xbf: {  	s0 =	sor.u32 s1, s0  }
0xc0: {  	s0 =	sadd.s32 $0x8F2B, s0  }
0xc1: {  	[sflag:s0] =	ssyncadd.remote.s32 $0x1  }
0xc2: {  	_ =	sfence.sel $0xFFFF  }
0xc3: {  	[dreg:$0x0] =	wrdreg $0xFFFFFFFF;
	(pc) =	sbr.abs _section_cstart, $3  }
0xc4: {  	[dreg:$0x1] =	wrdreg $0xFFFFFFFF  }
0xc5: {  	_ =	task.clear_ibuf [dreg:s9], $0x2FFFF;
	_ =	strace $0x9FFFFFFF  }
0xc6: {  	(tm) =	ssettm $0x7FFFFFFF  }
0xc7: {  	_ =	shalt  }
tec
execute0_lowered:
.L_overlay_start_1:
0x0: {  	(tag) =	ssettag $0x1  }
0x1: {  	s1 =	rddreg [dreg:$0x0]  }
0x2: {  	s0 =	rddreg [dreg:$0x2]  }
0x3: {  	s2 =	rddreg [dreg:$0x3];
	s3 =	srdreg.scid  }
0x4: {  	s12 =	stileid.u32;
	s4 =	simm.s32 $0x0;
	s14 =	simm.s32 $0x6  }
0x5: {  	s15 =	simm.s32 $0x400;
	s16 =	simm.s32 $0x600;
	s28 =	simm.s32 $0xEE00  }
0x6: {  	s29 =	simm.s32 $0xF600;
	s30 =	simm.s32 $0xFE00;
	s31 =	simm.s32 $0x1  }
0x7: {  	s17 =	simm.s32 $0x10600;
	s18 =	simm.s32 $0x5;
	s19 =	simm.s32 $0x0  }
0x8: {  	s3 =	sand.u32 $0x1, s3;
	s5 =	sshll.u32 s12, $0x1;
	[smem:$0x7FF] =	sst s4  }
0x9: {  	s8 =	sadd.s32 $0x200, s1;
	s13 =	sadd.s32 $0x10, s2;
	s10 =	sadd.s32 $0x300, s1  }
0xa: {  	s24 =	sshll.u32 s12, $0x12;
	s9 =	sor.u32 s3, s5;
	_ =	strace $0x80000047  }
0xb: {  	s6 =	ssub.s32 $0x2, s3;
	[dreg:$0x5] =	wrdreg s13;
	s25 =	sadd.s32 s24, s2  }
0xc: {  	s26 =	sshll.u32 s3, $0x11;
	s3 =	simm.s32 $0x8600;
	s2 =	simm.s32 $0x4  }
0xd: {  	s5 =	sshll.u32 s9, $0x7;
	s23 =	sshrl.u32 s6, $0x1;
	s11 =	sshll.u32 s9, $0x11  }
0xe: {  	p0 =	sgt.s32 s9, $0xF;
	p1 =	seq.s32 s9, $0x0;
	p2 =	seq.s32 s9, $0x8  }
.Ltmp0:
0xf: {  	p3 =	seq.s32 s9, $0x10;
	p4 =	seq.s32 s9, $0x18;
	(pc) =	sbr.rel .LBB2_1-.Ltmp0, $4  }
0x10: {  	s9 =	simm.s32 $0x2;
	s7 =	sadd.s32 s5, s0;
	s5 =	sadd.s32 $0x400, s0  }
0x11: {  	v4 =	vlaneseq.u32;
	vm0 =	vmmov $0xffff;
	v3 =	vimm.s32 $0x0;
	s0 =	ssub.s32 s6, s23;
	s11 =	sadd.s32 s11, s13;
	s13 =	sadd.s32 s26, s25  }
0x12: {  	vm1 =	vmmov $0xff;
	v0 =	vand.u32 $0x7, v4;
	v1 =	vshrl.u32 v4, $0x3;
	s25 =	simm.s32 $0xDE00;
	s26 =	simm.s32 $0xE600;
	s6 =	sadd.s32 $0x600, s7  }
0x13: {  	v2 =	vor.u32 $0x8, v4;
	v4 =	vmul.u32 $0x8, v4;
	v1 =	vmul.u32 $0x8, v1;
	s7 =	sadd.s32 $0x100, s1;
	s12 =	smax.u32 s0, $0x1;
	s0 =	simm.s32 $0x3  }
.LBB2_11:
0x14: {  	s21 =	simm.s32 $0x500;
	s20 =	smov.u32 s11  }
.LBB2_12:
0x15: {  	v5 =	vld.msk [tilespmem:s21+$0x0], $0x1;
	_ =	sdelay $0x4  }
0x16: {  	v6 =	vshll.u32 v5, $0x3  }
0x17: {  	v5 =	vand.u32 $0x7, v5;
	v6 =	vand.u32 $0xFFFFFFC0, v6  }
0x18: {  	v5 =	vor.u32 v5, v6  }
0x19: {  	v5 =	vperm.xlane v5, v3;
	_ =	sdelay $0x1  }
0x1a: {  	v5 =	vadd.s32 v4, v5;
	_ =	sdelay $0x3  }
0x1b: {  	s23 =	rddreg [dreg:$0x1]  }
0x1c: {  	[tilespmem:s17], [sflag:$0x5] =	stream.indirect_vreg.gather [hbm4b:s23+s4], $0x80, v5, vm1, $0xb8;
	[tilespmem:$0x10A00] =	vst v63  }
0x1d: {  	_ =	swait.ge [sflag:s18], $0x400  }
0x1e: {  	[sflag:s18] =	ssyncset.done $0x0  }
0x1f: {  	s24 =	simm.s32 $0x80;
	[sflag:s18] =	ssyncadd.s32 $0xFFFFFC00  }
0x20: {  	[hbm4b:s20+s24] =	stream.strided.scatter [tilespmem:s17], [sflag:$0x6], $0x400, s15, s24, $0x38;
	[tilespmem:$0x10A00] =	vst v63  }
0x21: {  	_ =	swait.ge [sflag:s14], $0x400  }
0x22: {  	[sflag:s14] =	ssyncset.done $0x0  }
0x23: {  	[sflag:s14] =	ssyncadd.s32 $0xFFFFFC00  }
.LBB2_13:
0x24: {  	s19 =	sadd.s32 $0x1, s19  }
0x25: {  	p5 =	sne.s32 s19, s12  }
.Ltmp1:
0x26: {  	_ = 	snop;
	(pc) =	sbr.rel @!p5 .LBB2_14-.Ltmp1, $1  }
0x27: {  	_ =	sdelay $0x3  }
.LBB2_1:
0x28: {  	[tilespmem:s4], [sflag:$0x6] =	stream.linear.gather [hbm4b:s6+s4], $0x400, $0x38;
	[tilespmem:$0x10A00] =	vst v63  }
0x29: {  	_ =	swait.ge [sflag:s14], $0x400  }
0x2a: {  	[sflag:s14] =	ssyncset.done $0x0  }
0x2b: {  	[sflag:s14] =	ssyncadd.s32 $0xFFFFFC00  }
0x2c: {  	[tilespmem:s15], [sflag:$0x6] =	stream.linear.gather [hbm4b:s5+s4], $0x200, $0x38;
	[tilespmem:$0x10A00] =	vst v63  }
0x2d: {  	_ =	swait.ge [sflag:s14], $0x200  }
0x2e: {  	[sflag:s14] =	ssyncset.done $0x0  }
0x2f: {  	[sflag:s14] =	ssyncadd.s32 $0xFFFFFE00  }
0x30: {  	v5 =	vld [tilespmem:$0x0];
	_ =	sdelay $0x4  }
0x31: {  	v6 =	vshll.u32 v5, $0x3  }
0x32: {  	v5 =	vand.u32 $0x7, v5;
	v6 =	vand.u32 $0xFFFFFFC0, v6  }
0x33: {  	v5 =	vor.u32 v5, v6  }
0x34: {  	v6 =	vperm.xlane v5, v0;
	_ =	sdelay $0x1  }
0x35: {  	v6 =	vadd.s32 v1, v6;
	_ =	sdelay $0x4  }
0x36: {  	[tilespmem:s16], [sflag:$0x1] =	stream.indirect_vreg.gather [hbm4b:s1+s4], $0x80, v6, vm0, $0xb8;
	[tilespmem:$0x10A00] =	vst v63  }
0x37: {  	s20 =	simm.s32 $0xE00;
	v5 =	vperm.xlane v5, v2  }
0x38: {  	[tilespmem:s20], [sflag:$0x1] =	stream.indirect_vreg.gather [hbm4b:s7+s4], $0x80, v6, vm0, $0xb8;
	[tilespmem:$0x10A00] =	vst v63  }
0x39: {  	s21 =	simm.s32 $0x1600;
	v5 =	vadd.s32 v1, v5  }
0x3a: {  	[tilespmem:s21], [sflag:$0x1] =	stream.indirect_vreg.gather [hbm4b:s8+s4], $0x80, v6, vm0, $0xb8;
	[tilespmem:$0x10A00] =	vst v63  }
0x3b: {  	s22 =	simm.s32 $0x1E00  }
0x3c: {  	[tilespmem:s22], [sflag:$0x1] =	stream.indirect_vreg.gather [hbm4b:s10+s4], $0x80, v6, vm0, $0xb8;
	[tilespmem:$0x10A00] =	vst v63  }
0x3d: {  	s23 =	simm.s32 $0x2600  }
0x3e: {  	[tilespmem:s23], [sflag:$0x1] =	stream.indirect_vreg.gather [hbm4b:s1+s4], $0x80, v5, vm0, $0xb8;
	[tilespmem:$0x10A00] =	vst v63  }
0x3f: {  	s24 =	simm.s32 $0x2E00  }
0x40: {  	[tilespmem:s24], [sflag:$0x1] =	stream.indirect_vreg.gather [hbm4b:s7+s4], $0x80, v5, vm0, $0xb8;
	[tilespmem:$0x10A00] =	vst v63  }
0x41: {  	s21 =	simm.s32 $0x3600  }
0x42: {  	[tilespmem:s21], [sflag:$0x1] =	stream.indirect_vreg.gather [hbm4b:s8+s4], $0x80, v5, vm0, $0xb8;
	[tilespmem:$0x10A00] =	vst v63  }
0x43: {  	s22 =	simm.s32 $0x3E00  }
0x44: {  	[tilespmem:s22], [sflag:$0x1] =	stream.indirect_vreg.gather [hbm4b:s10+s4], $0x80, v5, vm0, $0xb8;
	[tilespmem:$0x10A00] =	vst v63  }
0x45: {  	v5 =	vld [tilespmem:$0x10];
	_ =	sdelay $0x4  }
0x46: {  	v6 =	vshll.u32 v5, $0x3  }
0x47: {  	v5 =	vand.u32 $0x7, v5;
	v6 =	vand.u32 $0xFFFFFFC0, v6  }
0x48: {  	v5 =	vor.u32 v5, v6  }
0x49: {  	v6 =	vperm.xlane v5, v0;
	_ =	sdelay $0x1  }
0x4a: {  	v6 =	vadd.s32 v1, v6;
	_ =	sdelay $0x3  }
0x4b: {  	s23 =	simm.s32 $0x4600  }
0x4c: {  	[tilespmem:s23], [sflag:$0x1] =	stream.indirect_vreg.gather [hbm4b:s1+s4], $0x80, v6, vm0, $0xb8;
	[tilespmem:$0x10A00] =	vst v63  }
0x4d: {  	s24 =	simm.s32 $0x4E00;
	v5 =	vperm.xlane v5, v2  }
0x4e: {  	[tilespmem:s24], [sflag:$0x1] =	stream.indirect_vreg.gather [hbm4b:s7+s4], $0x80, v6, vm0, $0xb8;
	[tilespmem:$0x10A00] =	vst v63  }
0x4f: {  	s21 =	simm.s32 $0x5600;
	v5 =	vadd.s32 v1, v5  }
0x50: {  	[tilespmem:s21], [sflag:$0x1] =	stream.indirect_vreg.gather [hbm4b:s8+s4], $0x80, v6, vm0, $0xb8;
	[tilespmem:$0x10A00] =	vst v63  }
0x51: {  	s22 =	simm.s32 $0x5E00  }
0x52: {  	[tilespmem:s22], [sflag:$0x1] =	stream.indirect_vreg.gather [hbm4b:s10+s4], $0x80, v6, vm0, $0xb8;
	[tilespmem:$0x10A00] =	vst v63  }
0x53: {  	s23 =	simm.s32 $0x6600  }
0x54: {  	[tilespmem:s23], [sflag:$0x1] =	stream.indirect_vreg.gather [hbm4b:s1+s4], $0x80, v5, vm0, $0xb8;
	[tilespmem:$0x10A00] =	vst v63  }
0x55: {  	s24 =	simm.s32 $0x6E00  }
0x56: {  	[tilespmem:s24], [sflag:$0x1] =	stream.indirect_vreg.gather [hbm4b:s7+s4], $0x80, v5, vm0, $0xb8;
	[tilespmem:$0x10A00] =	vst v63  }
0x57: {  	s21 =	simm.s32 $0x7600  }
0x58: {  	[tilespmem:s21], [sflag:$0x1] =	stream.indirect_vreg.gather [hbm4b:s8+s4], $0x80, v5, vm0, $0xb8;
	[tilespmem:$0x10A00] =	vst v63  }
0x59: {  	s22 =	simm.s32 $0x7E00  }
0x5a: {  	[tilespmem:s22], [sflag:$0x1] =	stream.indirect_vreg.gather [hbm4b:s10+s4], $0x80, v5, vm0, $0xb8;
	[tilespmem:$0x10A00] =	vst v63  }
0x5b: {  	v5 =	vld [tilespmem:$0x20];
	_ =	sdelay $0x4  }
0x5c: {  	v6 =	vshll.u32 v5, $0x3  }
0x5d: {  	v5 =	vand.u32 $0x7, v5;
	v6 =	vand.u32 $0xFFFFFFC0, v6  }
0x5e: {  	v5 =	vor.u32 v5, v6  }
0x5f: {  	v6 =	vperm.xlane v5, v0;
	_ =	sdelay $0x1  }
0x60: {  	v6 =	vadd.s32 v1, v6;
	_ =	sdelay $0x4  }
0x61: {  	[tilespmem:s3], [sflag:$0x2] =	stream.indirect_vreg.gather [hbm4b:s1+s4], $0x80, v6, vm0, $0xb8;
	[tilespmem:$0x10A00] =	vst v63  }
0x62: {  	s23 =	simm.s32 $0x8E00;
	v5 =	vperm.xlane v5, v2  }
0x63: {  	[tilespmem:s23], [sflag:$0x2] =	stream.indirect_vreg.gather [hbm4b:s7+s4], $0x80, v6, vm0, $0xb8;
	[tilespmem:$0x10A00] =	vst v63  }
0x64: {  	s24 =	simm.s32 $0x9600;
	v5 =	vadd.s32 v1, v5  }
0x65: {  	[tilespmem:s24], [sflag:$0x2] =	stream.indirect_vreg.gather [hbm4b:s8+s4], $0x80, v6, vm0, $0xb8;
	[tilespmem:$0x10A00] =	vst v63  }
0x66: {  	s21 =	simm.s32 $0x9E00  }
0x67: {  	[tilespmem:s21], [sflag:$0x2] =	stream.indirect_vreg.gather [hbm4b:s10+s4], $0x80, v6, vm0, $0xb8;
	[tilespmem:$0x10A00] =	vst v63  }
0x68: {  	s22 =	simm.s32 $0xA600  }
0x69: {  	[tilespmem:s22], [sflag:$0x2] =	stream.indirect_vreg.gather [hbm4b:s1+s4], $0x80, v5, vm0, $0xb8;
	[tilespmem:$0x10A00] =	vst v63  }
0x6a: {  	s23 =	simm.s32 $0xAE00  }
0x6b: {  	[tilespmem:s23], [sflag:$0x2] =	stream.indirect_vreg.gather [hbm4b:s7+s4], $0x80, v5, vm0, $0xb8;
	[tilespmem:$0x10A00] =	vst v63  }
0x6c: {  	s24 =	simm.s32 $0xB600  }
0x6d: {  	[tilespmem:s24], [sflag:$0x2] =	stream.indirect_vreg.gather [hbm4b:s8+s4], $0x80, v5, vm0, $0xb8;
	[tilespmem:$0x10A00] =	vst v63  }
0x6e: {  	s21 =	simm.s32 $0xBE00  }
0x6f: {  	[tilespmem:s21], [sflag:$0x2] =	stream.indirect_vreg.gather [hbm4b:s10+s4], $0x80, v5, vm0, $0xb8;
	[tilespmem:$0x10A00] =	vst v63  }
0x70: {  	v5 =	vld [tilespmem:$0x30];
	_ =	sdelay $0x4  }
0x71: {  	v6 =	vshll.u32 v5, $0x3  }
0x72: {  	v5 =	vand.u32 $0x7, v5;
	v6 =	vand.u32 $0xFFFFFFC0, v6  }
0x73: {  	v5 =	vor.u32 v5, v6  }
0x74: {  	v6 =	vperm.xlane v5, v0;
	_ =	sdelay $0x1  }
0x75: {  	v6 =	vadd.s32 v1, v6;
	_ =	sdelay $0x3  }
0x76: {  	s22 =	simm.s32 $0xC600  }
0x77: {  	[tilespmem:s22], [sflag:$0x2] =	stream.indirect_vreg.gather [hbm4b:s1+s4], $0x80, v6, vm0, $0xb8;
	[tilespmem:$0x10A00] =	vst v63  }
0x78: {  	s23 =	simm.s32 $0xCE00;
	v5 =	vperm.xlane v5, v2  }
0x79: {  	[tilespmem:s23], [sflag:$0x2] =	stream.indirect_vreg.gather [hbm4b:s7+s4], $0x80, v6, vm0, $0xb8;
	[tilespmem:$0x10A00] =	vst v63  }
0x7a: {  	s24 =	simm.s32 $0xD600;
	v5 =	vadd.s32 v1, v5  }
0x7b: {  	[tilespmem:s24], [sflag:$0x2] =	stream.indirect_vreg.gather [hbm4b:s8+s4], $0x80, v6, vm0, $0xb8;
	[tilespmem:$0x10A00] =	vst v63  }
0x7c: {  	_ = 	snop  }
0x7d: {  	[tilespmem:s25], [sflag:$0x2] =	stream.indirect_vreg.gather [hbm4b:s10+s4], $0x80, v6, vm0, $0xb8;
	[tilespmem:$0x10A00] =	vst v63  }
0x7e: {  	_ = 	snop  }
0x7f: {  	[tilespmem:s26], [sflag:$0x2] =	stream.indirect_vreg.gather [hbm4b:s1+s4], $0x80, v5, vm0, $0xb8;
	[tilespmem:$0x10A00] =	vst v63  }
0x80: {  	_ = 	snop  }
0x81: {  	[tilespmem:s28], [sflag:$0x2] =	stream.indirect_vreg.gather [hbm4b:s7+s4], $0x80, v5, vm0, $0xb8;
	[tilespmem:$0x10A00] =	vst v63  }
0x82: {  	_ = 	snop  }
0x83: {  	[tilespmem:s29], [sflag:$0x2] =	stream.indirect_vreg.gather [hbm4b:s8+s4], $0x80, v5, vm0, $0xb8;
	[tilespmem:$0x10A00] =	vst v63  }
0x84: {  	s20 =	simm.s32 $0x70;
	s21 =	simm.s32 $0x0  }
0x85: {  	[tilespmem:s30], [sflag:$0x2] =	stream.indirect_vreg.gather [hbm4b:s10+s4], $0x80, v5, vm0, $0xb8;
	[tilespmem:$0x10A00] =	vst v63  }
.LBB2_2:
0x86: {  	_ =	swait.ge [sflag:s31], $0x8000  }
0x87: {  	[sflag:s31] =	ssyncset.done $0x0  }
0x88: {  	s23 =	sadd.s32 s21, s13;
	[sflag:s31] =	ssyncadd.s32 $0xFFFF8000  }
0x89: {  	[hbm4b:s23+s4] =	stream.linear.scatter [tilespmem:s16], [sflag:$0x3], $0x8000, $0x38;
	[tilespmem:$0x10A00] =	vst v63  }
0x8a: {  	_ =	swait.ge [sflag:s0], $0x8000  }
0x8b: {  	[sflag:s0] =	ssyncset.done $0x0  }
0x8c: {  	p5 =	seq.s32 s21, $0x1E000;
	[sflag:s0] =	ssyncadd.s32 $0xFFFF8000  }
0x8d: {  	v5 =	vld @!p5 [tilespmem:s20+$0xFFFFFFD0];
	_ =	sdelay $0x4  }
0x8e: {  	v6 =	vshll.u32 @!p5 v5, $0x3  }
0x8f: {  	v7 =	vlaneseq.u32 @!p5;
	v5 =	vand.u32 @!p5 $0x7, v5;
	v6 =	vand.u32 @!p5 $0xFFFFFFC0, v6  }
0x90: {  	v8 =	vshrl.u32 @!p5 v7, $0x3;
	v5 =	vor.u32 @!p5 v5, v6;
	v6 =	vand.u32 @!p5 $0x7, v7  }
0x91: {  	v8 =	vmul.u32 @!p5 $0x8, v8;
	v9 =	vperm.xlane @!p5 v5, v6;
	_ =	sdelay $0x1  }
0x92: {  	v9 =	vadd.s32 @!p5 v8, v9;
	_ =	sdelay $0x3  }
0x93: {  	vm2 =	vmmov @!p5 $0xffff;
	s22 =	simm.s32 @!p5 $0x0;
	s24 =	simm.s32 @!p5 $0x600  }
0x94: {  	v7 =	vor.u32 @!p5 $0x8, v7;
	[tilespmem:s24], [sflag:$0x1] =	stream.indirect_vreg.gather @!p5 [hbm4b:s1+s22], $0x80, v9, vm2, $0xb8;
	[tilespmem:$0x10A00] =	vst v63  }
0x95: {  	v5 =	vperm.xlane @!p5 v5, v7;
	s24 =	simm.s32 @!p5 $0xE00  }
0x96: {  	[tilespmem:s24], [sflag:$0x1] =	stream.indirect_vreg.gather @!p5 [hbm4b:s7+s22], $0x80, v9, vm2, $0xb8;
	[tilespmem:$0x10A00] =	vst v63  }
0x97: {  	v5 =	vadd.s32 @!p5 v8, v5;
	s24 =	simm.s32 @!p5 $0x1600  }
0x98: {  	[tilespmem:s24], [sflag:$0x1] =	stream.indirect_vreg.gather @!p5 [hbm4b:s8+s22], $0x80, v9, vm2, $0xb8;
	[tilespmem:$0x10A00] =	vst v63  }
0x99: {  	s24 =	simm.s32 @!p5 $0x1E00  }
0x9a: {  	[tilespmem:s24], [sflag:$0x1] =	stream.indirect_vreg.gather @!p5 [hbm4b:s10+s22], $0x80, v9, vm2, $0xb8;
	[tilespmem:$0x10A00] =	vst v63  }
0x9b: {  	s24 =	simm.s32 @!p5 $0x2600  }
0x9c: {  	[tilespmem:s24], [sflag:$0x1] =	stream.indirect_vreg.gather @!p5 [hbm4b:s1+s22], $0x80, v5, vm2, $0xb8;
	[tilespmem:$0x10A00] =	vst v63  }
0x9d: {  	s24 =	simm.s32 @!p5 $0x2E00  }
0x9e: {  	[tilespmem:s24], [sflag:$0x1] =	stream.indirect_vreg.gather @!p5 [hbm4b:s7+s22], $0x80, v5, vm2, $0xb8;
	[tilespmem:$0x10A00] =	vst v63  }
0x9f: {  	s24 =	simm.s32 @!p5 $0x3600  }
0xa0: {  	[tilespmem:s24], [sflag:$0x1] =	stream.indirect_vreg.gather @!p5 [hbm4b:s8+s22], $0x80, v5, vm2, $0xb8;
	[tilespmem:$0x10A00] =	vst v63  }
0xa1: {  	s24 =	simm.s32 @!p5 $0x3E00  }
0xa2: {  	[tilespmem:s24], [sflag:$0x1] =	stream.indirect_vreg.gather @!p5 [hbm4b:s10+s22], $0x80, v5, vm2, $0xb8;
	[tilespmem:$0x10A00] =	vst v63  }
0xa3: {  	v5 =	vld @!p5 [tilespmem:s20+$0xFFFFFFE0];
	_ =	sdelay $0x4  }
0xa4: {  	v9 =	vshll.u32 @!p5 v5, $0x3  }
0xa5: {  	v5 =	vand.u32 @!p5 $0x7, v5;
	v9 =	vand.u32 @!p5 $0xFFFFFFC0, v9  }
0xa6: {  	v5 =	vor.u32 @!p5 v5, v9  }
0xa7: {  	v9 =	vperm.xlane @!p5 v5, v6;
	_ =	sdelay $0x1  }
0xa8: {  	v9 =	vadd.s32 @!p5 v8, v9;
	_ =	sdelay $0x3  }
0xa9: {  	s24 =	simm.s32 @!p5 $0x4600  }
0xaa: {  	[tilespmem:s24], [sflag:$0x1] =	stream.indirect_vreg.gather @!p5 [hbm4b:s1+s22], $0x80, v9, vm2, $0xb8;
	[tilespmem:$0x10A00] =	vst v63  }
0xab: {  	v5 =	vperm.xlane @!p5 v5, v7;
	s24 =	simm.s32 @!p5 $0x4E00  }
0xac: {  	[tilespmem:s24], [sflag:$0x1] =	stream.indirect_vreg.gather @!p5 [hbm4b:s7+s22], $0x80, v9, vm2, $0xb8;
	[tilespmem:$0x10A00] =	vst v63  }
0xad: {  	v5 =	vadd.s32 @!p5 v8, v5;
	s24 =	simm.s32 @!p5 $0x5600  }
0xae: {  	[tilespmem:s24], [sflag:$0x1] =	stream.indirect_vreg.gather @!p5 [hbm4b:s8+s22], $0x80, v9, vm2, $0xb8;
	[tilespmem:$0x10A00] =	vst v63  }
0xaf: {  	s24 =	simm.s32 @!p5 $0x5E00  }
0xb0: {  	[tilespmem:s24], [sflag:$0x1] =	stream.indirect_vreg.gather @!p5 [hbm4b:s10+s22], $0x80, v9, vm2, $0xb8;
	[tilespmem:$0x10A00] =	vst v63  }
0xb1: {  	s24 =	simm.s32 @!p5 $0x6600  }
0xb2: {  	[tilespmem:s24], [sflag:$0x1] =	stream.indirect_vreg.gather @!p5 [hbm4b:s1+s22], $0x80, v5, vm2, $0xb8;
	[tilespmem:$0x10A00] =	vst v63  }
0xb3: {  	s24 =	simm.s32 @!p5 $0x6E00  }
0xb4: {  	[tilespmem:s24], [sflag:$0x1] =	stream.indirect_vreg.gather @!p5 [hbm4b:s7+s22], $0x80, v5, vm2, $0xb8;
	[tilespmem:$0x10A00] =	vst v63  }
0xb5: {  	s24 =	simm.s32 @!p5 $0x7600  }
0xb6: {  	[tilespmem:s24], [sflag:$0x1] =	stream.indirect_vreg.gather @!p5 [hbm4b:s8+s22], $0x80, v5, vm2, $0xb8;
	[tilespmem:$0x10A00] =	vst v63  }
0xb7: {  	s24 =	simm.s32 @!p5 $0x7E00  }
0xb8: {  	[tilespmem:s24], [sflag:$0x1] =	stream.indirect_vreg.gather @!p5 [hbm4b:s10+s22], $0x80, v5, vm2, $0xb8;
	[tilespmem:$0x10A00] =	vst v63  }
0xb9: {  	_ =	swait.ge [sflag:s9], $0x8000  }
0xba: {  	[sflag:s9] =	ssyncset.done $0x0  }
0xbb: {  	s23 =	sadd.s32 $0x1000, s23;
	[sflag:s9] =	ssyncadd.s32 $0xFFFF8000  }
0xbc: {  	[hbm4b:s23+s4] =	stream.linear.scatter [tilespmem:s3], [sflag:$0x4], $0x8000, $0x38;
	[tilespmem:$0x10A00] =	vst v63  }
0xbd: {  	_ =	swait.ge [sflag:s2], $0x8000  }
0xbe: {  	[sflag:s2] =	ssyncset.done $0x0  }
0xbf: {  	[sflag:s2] =	ssyncadd.s32 $0xFFFF8000  }
0xc0: {  	v5 =	vld @!p5 [tilespmem:s20+$0xFFFFFFF0];
	_ =	sdelay $0x4  }
0xc1: {  	v9 =	vshll.u32 @!p5 v5, $0x3  }
0xc2: {  	v5 =	vand.u32 @!p5 $0x7, v5;
	v9 =	vand.u32 @!p5 $0xFFFFFFC0, v9  }
0xc3: {  	v5 =	vor.u32 @!p5 v5, v9  }
0xc4: {  	v9 =	vperm.xlane @!p5 v5, v6;
	_ =	sdelay $0x1  }
0xc5: {  	v9 =	vadd.s32 @!p5 v8, v9;
	_ =	sdelay $0x3  }
0xc6: {  	s23 =	simm.s32 @!p5 $0x8600  }
0xc7: {  	[tilespmem:s23], [sflag:$0x2] =	stream.indirect_vreg.gather @!p5 [hbm4b:s1+s22], $0x80, v9, vm2, $0xb8;
	[tilespmem:$0x10A00] =	vst v63  }
0xc8: {  	v5 =	vperm.xlane @!p5 v5, v7;
	s23 =	simm.s32 @!p5 $0x8E00  }
0xc9: {  	[tilespmem:s23], [sflag:$0x2] =	stream.indirect_vreg.gather @!p5 [hbm4b:s7+s22], $0x80, v9, vm2, $0xb8;
	[tilespmem:$0x10A00] =	vst v63  }
0xca: {  	v5 =	vadd.s32 @!p5 v8, v5;
	s23 =	simm.s32 @!p5 $0x9600  }
0xcb: {  	[tilespmem:s23], [sflag:$0x2] =	stream.indirect_vreg.gather @!p5 [hbm4b:s8+s22], $0x80, v9, vm2, $0xb8;
	[tilespmem:$0x10A00] =	vst v63  }
0xcc: {  	s23 =	simm.s32 @!p5 $0x9E00  }
0xcd: {  	[tilespmem:s23], [sflag:$0x2] =	stream.indirect_vreg.gather @!p5 [hbm4b:s10+s22], $0x80, v9, vm2, $0xb8;
	[tilespmem:$0x10A00] =	vst v63  }
0xce: {  	s23 =	simm.s32 @!p5 $0xA600  }
0xcf: {  	[tilespmem:s23], [sflag:$0x2] =	stream.indirect_vreg.gather @!p5 [hbm4b:s1+s22], $0x80, v5, vm2, $0xb8;
	[tilespmem:$0x10A00] =	vst v63  }
0xd0: {  	s23 =	simm.s32 @!p5 $0xAE00  }
0xd1: {  	[tilespmem:s23], [sflag:$0x2] =	stream.indirect_vreg.gather @!p5 [hbm4b:s7+s22], $0x80, v5, vm2, $0xb8;
	[tilespmem:$0x10A00] =	vst v63  }
0xd2: {  	s23 =	simm.s32 @!p5 $0xB600  }
0xd3: {  	[tilespmem:s23], [sflag:$0x2] =	stream.indirect_vreg.gather @!p5 [hbm4b:s8+s22], $0x80, v5, vm2, $0xb8;
	[tilespmem:$0x10A00] =	vst v63  }
0xd4: {  	s23 =	simm.s32 @!p5 $0xBE00  }
0xd5: {  	[tilespmem:s23], [sflag:$0x2] =	stream.indirect_vreg.gather @!p5 [hbm4b:s10+s22], $0x80, v5, vm2, $0xb8;
	[tilespmem:$0x10A00] =	vst v63  }
0xd6: {  	v5 =	vld @!p5 [tilespmem:s20+$0x0];
	_ =	sdelay $0x4  }
0xd7: {  	v9 =	vshll.u32 @!p5 v5, $0x3  }
0xd8: {  	v5 =	vand.u32 @!p5 $0x7, v5;
	v9 =	vand.u32 @!p5 $0xFFFFFFC0, v9  }
0xd9: {  	v5 =	vor.u32 @!p5 v5, v9  }
0xda: {  	v6 =	vperm.xlane @!p5 v5, v6;
	_ =	sdelay $0x1  }
0xdb: {  	v6 =	vadd.s32 @!p5 v8, v6;
	_ =	sdelay $0x3  }
0xdc: {  	s23 =	simm.s32 @!p5 $0xC600  }
0xdd: {  	[tilespmem:s23], [sflag:$0x2] =	stream.indirect_vreg.gather @!p5 [hbm4b:s1+s22], $0x80, v6, vm2, $0xb8;
	[tilespmem:$0x10A00] =	vst v63  }
0xde: {  	v5 =	vperm.xlane @!p5 v5, v7;
	s23 =	simm.s32 @!p5 $0xCE00  }
0xdf: {  	[tilespmem:s23], [sflag:$0x2] =	stream.indirect_vreg.gather @!p5 [hbm4b:s7+s22], $0x80, v6, vm2, $0xb8;
	[tilespmem:$0x10A00] =	vst v63  }
0xe0: {  	v5 =	vadd.s32 @!p5 v8, v5;
	s23 =	simm.s32 @!p5 $0xD600  }
0xe1: {  	[tilespmem:s23], [sflag:$0x2] =	stream.indirect_vreg.gather @!p5 [hbm4b:s8+s22], $0x80, v6, vm2, $0xb8;
	[tilespmem:$0x10A00] =	vst v63  }
0xe2: {  	s21 =	sadd.s32 @!p5 $0x2000, s21;
	s23 =	simm.s32 @!p5 $0xDE00  }
0xe3: {  	[tilespmem:s23], [sflag:$0x2] =	stream.indirect_vreg.gather @!p5 [hbm4b:s10+s22], $0x80, v6, vm2, $0xb8;
	[tilespmem:$0x10A00] =	vst v63  }
0xe4: {  	p6 =	sne.s32 @!p5 s21, $0x20000;
	s23 =	simm.s32 @!p5 $0xE600  }
0xe5: {  	[tilespmem:s23], [sflag:$0x2] =	stream.indirect_vreg.gather @!p5 [hbm4b:s1+s22], $0x80, v5, vm2, $0xb8;
	[tilespmem:$0x10A00] =	vst v63  }
0xe6: {  	p6 =	por p5, !p6;
	s23 =	simm.s32 @!p5 $0xEE00  }
0xe7: {  	[tilespmem:s23], [sflag:$0x2] =	stream.indirect_vreg.gather @!p5 [hbm4b:s7+s22], $0x80, v5, vm2, $0xb8;
	[tilespmem:$0x10A00] =	vst v63  }
.Ltmp2:
0xe8: {  	_ = 	snop;
	(pc) =	sbr.rel @!p6 .LBB2_2-.Ltmp2, $4  }
0xe9: {  	s23 =	simm.s32 @!p5 $0xF600  }
0xea: {  	[tilespmem:s23], [sflag:$0x2] =	stream.indirect_vreg.gather @!p5 [hbm4b:s8+s22], $0x80, v5, vm2, $0xb8;
	[tilespmem:$0x10A00] =	vst v63  }
0xeb: {  	s20 =	sadd.s32 @!p5 $0x40, s20;
	s23 =	simm.s32 @!p5 $0xFE00  }
0xec: {  	[tilespmem:s23], [sflag:$0x2] =	stream.indirect_vreg.gather @!p5 [hbm4b:s10+s22], $0x80, v5, vm2, $0xb8;
	[tilespmem:$0x10A00] =	vst v63  }
.Ltmp3:
0xed: {  	(pc) =	sbr.rel @p0 .LBB2_6-.Ltmp3, $1  }
0xee: {  	_ =	sdelay $0x3  }
.Ltmp4:
0xef: {  	(pc) =	sbr.rel @p1 .LBB2_5-.Ltmp4, $1  }
0xf0: {  	_ =	sdelay $0x3  }
.Ltmp5:
0xf1: {  	(pc) =	sbr.rel @!p2 .LBB2_13-.Ltmp5, $1  }
0xf2: {  	_ =	sdelay $0x3  }
.Ltmp6:
0xf3: {  	(pc) =	sbr.rel .LBB2_12-.Ltmp6, $2  }
0xf4: {  	_ =	sdelay $0x2  }
0xf5: {  	s21 =	simm.s32 $0x480;
	s20 =	smov.u32 s11  }
.LBB2_6:
.Ltmp7:
0xf6: {  	(pc) =	sbr.rel @p3 .LBB2_11-.Ltmp7, $1  }
0xf7: {  	_ =	sdelay $0x3  }
.Ltmp8:
0xf8: {  	(pc) =	sbr.rel @!p4 .LBB2_13-.Ltmp8, $1  }
0xf9: {  	_ =	sdelay $0x3  }
.Ltmp9:
0xfa: {  	(pc) =	sbr.rel .LBB2_12-.Ltmp9, $2  }
0xfb: {  	_ =	sdelay $0x2  }
0xfc: {  	s21 =	simm.s32 $0x580;
	s20 =	smov.u32 s11  }
.LBB2_5:
.Ltmp10:
0xfd: {  	(pc) =	sbr.rel .LBB2_12-.Ltmp10, $2  }
0xfe: {  	_ =	sdelay $0x2  }
0xff: {  	s21 =	simm.s32 $0x400;
	s20 =	rddreg [dreg:$0x5]  }
.LBB2_14:
0x100: {  	_ =	sfence.sel $0x180000  }
0x101: {  	[bflag:$0x0] =	sbarrier.arrive $0xFFFF  }
0x102: {  	_ =	strace $0x90000047  }
0x103: {  	s0 =	stileid.u32;
	[bflag:$0x2] =	sbarrier.arrive $0xFFFF  }
0x104: {  	p0 =	sne.s32 s0, $0x0;
	s0 =	rddreg [dreg:$0x4]  }
0x105: {  	s0 =	sadd.s32 @!p0 $0x100000, s0  }
0x106: {  	[sflag:s0] =	ssyncadd.tile.s32 @!p0 $0x1;
	_ =	shalt  }
.Lfunc_end2:
_tile_overlayer_lowered:
.L_overlay_start_2:
0x107: {  	(tag) =	ssettag $0x2  }
0x108: {  	s0 =	rddreg [dreg:$0x0];
	s2 =	stileid.u32  }
0x109: {  	s1 =	rddreg [dreg:$0x1];
	p0 =	sne.s32 s2, $0x0  }
0x10a: {  	s3 =	rddreg [dreg:$0x2];
	[bflag:$0x3] =	sbarrier.arrive $0xFFFF;
	s2 =	simm.s32 @!p0 $0x1C06  }
0x10b: {  	[timem:s3], [sflag:s2] =	dma.local @!p0 [hbm:s0], s1  }
0x10c: {  	s0 =	simm.s32 @!p0 $0x6  }
0x10d: {  	_ =	swait.ge @!p0 [sflag:s0], s1  }
0x10e: {  	s1 =	ssub.s32 @!p0 $0x0, s1;
	[sflag:s0] =	ssyncset.done @!p0 $0x0  }
0x10f: {  	[sflag:s0] =	ssyncadd.s32 @!p0 s1  }
0x110: {  	[bflag:$0x3] =	sbarrier.arrive $0xFFFF  }
0x111: {  	_ =	shalt  }

</sc_bundles>
